<compile_context>
chip_gen: v7x
topology: tpu7x:2x2x1
jax: 0.10.2.dev20260603
libtpu: 0.0.44.dev20260713+nightly
codegen_flags: <defaults>
</compile_context>

<pallas_src>
import jax
import jax.numpy as jnp
from jax.experimental import pallas as pl
from jax.experimental.pallas import tpu as pltpu

_A = 8400
_AP = 8448
_NP = 64
_NC = 80
_TOPK = 9
_EPS = 1e-9
_L0 = 6400
_L1 = 1600
_INF = 3.0e38
_BIGI = 1 << 30


def _top9(d, width):
    cidx = jax.lax.broadcasted_iota(jnp.int32, (_NP, width), 1)
    s = jnp.zeros((_NP, width), jnp.float32)
    for _ in range(_TOPK):
        m = jnp.min(d, axis=1, keepdims=True)
        j = jnp.min(jnp.where(d == m, cidx, _BIGI), axis=1, keepdims=True)
        pick = cidx == j
        s = s + pick.astype(jnp.float32)
        d = jnp.where(pick, _INF, d)
    return s


def _atss_body(anc_ref, gt_ref, gtr_ref, lab_ref, box_ref, sco_ref):
    a = anc_ref[:, :]
    ax0 = a[0:1, :]
    ay0 = a[1:2, :]
    ax1 = a[2:3, :]
    ay1 = a[3:4, :]
    g = gt_ref[0]
    gx0 = g[:, 0:1]
    gy0 = g[:, 1:2]
    gx1 = g[:, 2:3]
    gy1 = g[:, 3:4]
    glab = g[:, 4:5]
    gmask = g[:, 5:6]

    acx = (ax0 + ax1) * 0.5
    acy = (ay0 + ay1) * 0.5
    aarea = (ax1 - ax0) * (ay1 - ay0)
    gcx = (gx0 + gx1) * 0.5
    gcy = (gy0 + gy1) * 0.5
    garea = (gx1 - gx0) * (gy1 - gy0)

    dx = gcx - acx
    dy = gcy - acy
    aidx = jax.lax.broadcasted_iota(jnp.int32, (1, _AP), 1)
    dist = jnp.where(aidx < _A, jnp.sqrt(dx * dx + dy * dy), _INF)

    sel0 = _top9(dist[:, 0:_L0], _L0)
    dhi = dist[:, _L0:_AP]
    cidx = jax.lax.broadcasted_iota(jnp.int32, (_NP, _AP - _L0), 1)
    sel1 = _top9(jnp.where(cidx < _L1, dhi, _INF), _AP - _L0)
    sel2 = _top9(jnp.where(cidx >= _L1, dhi, _INF), _AP - _L0)
    sel = jnp.concatenate([sel0, sel1 + sel2], axis=1)

    inter = (jnp.maximum(jnp.minimum(gx1, ax1) - jnp.maximum(gx0, ax0), 0.0)
             * jnp.maximum(jnp.minimum(gy1, ay1) - jnp.maximum(gy0, ay0), 0.0))
    iou = inter / (garea + aarea - inter + _EPS)

    selm = sel * gmask
    iou_c = iou * selm
    mean = jnp.sum(iou_c, axis=1, keepdims=True) * (1.0 / (3 * _TOPK))
    dvar = iou_c - mean
    var = jnp.sum(sel * dvar * dvar, axis=1, keepdims=True) * (1.0 / (3 * _TOPK - 1))
    thr = mean + jnp.sqrt(jnp.maximum(var, 0.0))
    topk_f = jnp.where(iou_c > thr, selm, jnp.zeros_like(selm))

    m_in = jnp.minimum(jnp.minimum(acx - gx0, acy - gy0),
                       jnp.minimum(gx1 - acx, gy1 - acy))
    maskp = topk_f * (m_in > _EPS).astype(jnp.float32) * gmask

    colsum = jnp.sum(maskp, axis=0, keepdims=True)
    multi = colsum > 1.0
    gidx = jax.lax.broadcasted_iota(jnp.int32, (_NP, _AP), 0)
    miou = jnp.max(iou, axis=0, keepdims=True)
    firstmax = jnp.min(jnp.where(iou == miou, gidx, _BIGI), axis=0,
                       keepdims=True)
    ismax = (gidx == firstmax).astype(jnp.float32)
    maskp2 = jnp.where(multi, ismax, maskp)

    possum = jnp.sum(maskp2, axis=0, keepdims=True)
    pos = possum > 0.0
    firstpos = jnp.min(jnp.where(maskp2 > 0.0, gidx, _BIGI), axis=0,
                       keepdims=True)
    assigned = jnp.where(pos, firstpos, jnp.zeros_like(firstpos))

    onehot = (gidx == assigned).astype(jnp.float32)
    labi = jnp.sum(onehot * glab, axis=0, keepdims=True).astype(jnp.int32)
    labi = jnp.where(pos, labi, jnp.full_like(labi, -1))
    lab_ref[0] = labi

    lab_c = jnp.transpose(labi, (1, 0))
    asg_c = jnp.transpose(assigned, (1, 0))
    gr = gtr_ref[0]
    gidx_r = jax.lax.broadcasted_iota(jnp.int32, (_AP, _NP), 1)
    onehot_c = (gidx_r == asg_c).astype(jnp.float32)
    for j in range(4):
        box_ref[0, :, j:j + 1] = jnp.sum(onehot_c * gr[j:j + 1, :], axis=1,
                                         keepdims=True)
    cls = jax.lax.broadcasted_iota(jnp.int32, (_AP, _NC), 1)
    sco_ref[0] = jnp.where(lab_c == cls, jnp.float32(1.0), jnp.float32(0.0))


def kernel(anchor_bboxes, num_anchors_list, gt_labels, gt_bboxes, pad_gt_mask,
           bg_index):
    B, n, _ = gt_bboxes.shape
    anc = jnp.zeros((8, _AP), jnp.float32).at[:4, :_A].set(
        anchor_bboxes.astype(jnp.float32).T)
    packed = jnp.concatenate(
        [gt_bboxes.astype(jnp.float32),
         gt_labels.astype(jnp.float32),
         pad_gt_mask.astype(jnp.float32),
         jnp.zeros((B, n, 2), jnp.float32)], axis=2)
    packed = jnp.pad(packed, ((0, 0), (0, _NP - n), (0, 0)))
    packed_r = jnp.transpose(packed, (0, 2, 1))

    cparams = pltpu.CompilerParams(dimension_semantics=("parallel",))
    lab, box, sco = pl.pallas_call(
        _atss_body,
        grid=(B,),
        in_specs=[
            pl.BlockSpec((8, _AP), lambda b: (0, 0)),
            pl.BlockSpec((1, _NP, 8), lambda b: (b, 0, 0)),
            pl.BlockSpec((1, 8, _NP), lambda b: (b, 0, 0)),
        ],
        out_specs=[
            pl.BlockSpec((1, 1, _AP), lambda b: (b, 0, 0)),
            pl.BlockSpec((1, _AP, 4), lambda b: (b, 0, 0)),
            pl.BlockSpec((1, _AP, _NC), lambda b: (b, 0, 0)),
        ],
        out_shape=[
            jax.ShapeDtypeStruct((B, 1, _AP), jnp.int32),
            jax.ShapeDtypeStruct((B, _AP, 4), jnp.float32),
            jax.ShapeDtypeStruct((B, _AP, _NC), jnp.float32),
        ],
        compiler_params=cparams,
    )(anc, packed, packed_r)

    labels = lab[:, 0, :_A]
    labels = jnp.where(labels < 0, bg_index, labels).astype(jnp.int32)
    return labels, box[:, :_A, :], sco[:, :_A, :]

# --- scband reference (transcript-rebuilt; emitter-appended) ---
"""Pipeline reference for scband-atssassigner-46746424050471 (READ-ONLY COPY).

The authoritative reference and input builder live on the scoring server;
editing this copy changes nothing except your own understanding.
"""

import jax, jax.numpy as jnp
import numpy as np

TOPK = 9
NUM_CLASSES = 80
EPS = 1e-9
_IMG = 640
_STRIDES = (8, 16, 32)

def _bbox_center(boxes):
    return jnp.stack([(boxes[..., 0] + boxes[..., 2]) * 0.5, (boxes[..., 1] + boxes[..., 3]) * 0.5], axis=-1)

def _iou_similarity(box1, box2):
    xmin = jnp.maximum(box1[:, None, 0], box2[None, :, 0])
    ymin = jnp.maximum(box1[:, None, 1], box2[None, :, 1])
    xmax = jnp.minimum(box1[:, None, 2], box2[None, :, 2])
    ymax = jnp.minimum(box1[:, None, 3], box2[None, :, 3])
    inter = jnp.maximum(xmax - xmin, 0.0) * jnp.maximum(ymax - ymin, 0.0)
    a1 = (box1[:, 2] - box1[:, 0]) * (box1[:, 3] - box1[:, 1])
    a2 = (box2[:, 2] - box2[:, 0]) * (box2[:, 3] - box2[:, 1])
    union = a1[:, None] + a2[None, :] - inter
    return inter / (union + EPS)

def _check_points_inside_bboxes(points, bboxes, eps=1e-9):
    x = points[None, None, :, 0]
    y = points[None, None, :, 1]
    l = x - bboxes[..., 0:1]
    t = y - bboxes[..., 1:2]
    r = bboxes[..., 2:3] - x
    b = bboxes[..., 3:4] - y
    m = jnp.minimum(jnp.minimum(l, t), jnp.minimum(r, b))
    return (m > eps).astype(jnp.float32)

def _compute_max_iou_anchor(ious):
    n = ious.shape[-2]
    max_idx = jnp.argmax(ious, axis=-2)
    return jnp.moveaxis(jax.nn.one_hot(max_idx, n, dtype=ious.dtype), -1, -2)

def _forward(anchor_bboxes, num_anchors_list, gt_labels, gt_bboxes, pad_gt_mask, bg_index):
    num_anchors = anchor_bboxes.shape[0]
    B, n, _ = gt_bboxes.shape
    ious = _iou_similarity(gt_bboxes.reshape(-1, 4), anchor_bboxes).reshape(B, n, num_anchors)
    gt_centers = _bbox_center(gt_bboxes.reshape(-1, 4))[:, None, :]
    anchor_centers = _bbox_center(anchor_bboxes)
    dists = jnp.linalg.norm(gt_centers - anchor_centers[None], axis=-1).reshape(B, n, num_anchors)
    levels = [(_IMG // s) ** 2 for s in _STRIDES]
    level_scale = num_anchors_list.astype(dists.dtype).sum() / float(sum(levels))
    dists = dists * level_scale
    offsets = [0] + list(np.cumsum(levels)[:-1])
    is_in_topk_list = []
    topk_idxs_list = []
    for L, off in zip(levels, offsets):
        d = dists[..., off:off + L]
        _, topk_idxs = jax.lax.top_k(-d, TOPK)
        topk_idxs_list.append(topk_idxs + off)
        one = jax.nn.one_hot(topk_idxs, L, dtype=dists.dtype).sum(axis=-2)
        is_in_topk_list.append(one * pad_gt_mask)
    is_in_topk = jnp.concatenate(is_in_topk_list, axis=-1)
    topk_idxs = jnp.concatenate(topk_idxs_list, axis=-1)
    iou_candidates = ious * is_in_topk
    iou_threshold = jnp.take_along_axis(iou_candidates.reshape(B * n, num_anchors), topk_idxs.reshape(B * n, -1), axis=-1)
    iou_threshold = iou_threshold.reshape(B, n, -1)
    iou_threshold = iou_threshold.mean(axis=-1, keepdims=True) + iou_threshold.std(axis=-1, keepdims=True, ddof=1)
    is_in_topk = jnp.where(iou_candidates > iou_threshold, is_in_topk, jnp.zeros_like(is_in_topk))
    is_in_gts = _check_points_inside_bboxes(anchor_centers, gt_bboxes)
    mask_positive = is_in_topk * is_in_gts * pad_gt_mask
    mask_positive_sum = mask_positive.sum(axis=-2)
    mask_multiple_gts = jnp.tile(mask_positive_sum[:, None, :] > 1, (1, n, 1))
    is_max_iou = _compute_max_iou_anchor(ious)
    mask_positive = jnp.where(mask_multiple_gts, is_max_iou, mask_positive)
    mask_positive_sum = mask_positive.sum(axis=-2)
    assigned_gt_index = jnp.argmax(mask_positive, axis=-2)
    batch_ind = jnp.arange(B, dtype=assigned_gt_index.dtype)[:, None]
    assigned_gt_index = assigned_gt_index + batch_ind * n
    assigned_labels = jnp.take(gt_labels.reshape(-1), assigned_gt_index.reshape(-1), axis=0).reshape(B, num_anchors)
    assigned_labels = jnp.where(mask_positive_sum > 0, assigned_labels, jnp.full_like(assigned_labels, bg_index))
    assigned_bboxes = jnp.take(gt_bboxes.reshape(-1, 4), assigned_gt_index.reshape(-1), axis=0).reshape(B, num_anchors, 4)
    assigned_scores = jax.nn.one_hot(assigned_labels, NUM_CLASSES + 1, dtype=jnp.float32)
    keep = np.array([i for i in range(NUM_CLASSES + 1) if i != NUM_CLASSES])
    assigned_scores = assigned_scores[..., keep]
    return assigned_labels, assigned_bboxes, assigned_scores

def setup_inputs(seed: int = 0):
    key = jax.random.key(seed)
    k1, k2, k3 = jax.random.split(key, 3)
    img = 640
    strides = [8, 16, 32]
    anchors = []
    num_anchors_list = []
    for s in strides:
        fs = img // s
        yy, xx = np.meshgrid(np.arange(fs), np.arange(fs), indexing='ij')
        cx = (xx.reshape(-1) + 0.5) * s
        cy = (yy.reshape(-1) + 0.5) * s
        half = 4.0 * s
        anchors.append(np.stack([cx - half, cy - half, cx + half, cy + half], axis=-1).astype(np.float32))
        num_anchors_list.append(fs * fs)
    anchor_bboxes = jnp.asarray(np.concatenate(anchors, axis=0))
    B, n = 16, 50
    cxy = jax.random.uniform(k1, (B, n, 2), minval=40.0, maxval=600.0)
    wh = jax.random.uniform(k2, (B, n, 2), minval=20.0, maxval=200.0)
    gt_bboxes = jnp.concatenate([jnp.clip(cxy - wh * 0.5, 0.0, float(img)), jnp.clip(cxy + wh * 0.5, 0.0, float(img))], axis=-1).astype(jnp.float32)
    gt_labels = jax.random.randint(k3, (B, n, 1), 0, 80).astype(jnp.int32)
    pad_gt_mask = jnp.broadcast_to((jnp.arange(n)[None, :, None] < 40).astype(jnp.float32), (B, n, 1))
    return {'anchor_bboxes': anchor_bboxes, 'num_anchors_list': np.array(num_anchors_list, dtype=np.int64), 'gt_labels': gt_labels, 'gt_bboxes': gt_bboxes, 'pad_gt_mask': pad_gt_mask, 'bg_index': 80}

def reference(anchor_bboxes, num_anchors_list, gt_labels, gt_bboxes, pad_gt_mask, bg_index):
    return _forward(anchor_bboxes, num_anchors_list, gt_labels, gt_bboxes, pad_gt_mask, bg_index)

if __name__ == "__main__":
    import jax
    _d = setup_inputs()
    print(jax.jit(kernel)(*tuple(_d.values())))

</pallas_src>

<mosaic_0001>
module attributes {stable_mosaic.version = 14 : i64} {
  func.func @_atss_body(%arg0: i32, %arg1: memref<8x8448xf32, #tpu.memory_space<vmem>>, %arg2: memref<1x64x8xf32, #tpu.memory_space<vmem>>, %arg3: memref<1x8x64xf32, #tpu.memory_space<vmem>>, %arg4: memref<1x1x8448xi32, #tpu.memory_space<vmem>>, %arg5: memref<1x8448x4xf32, #tpu.memory_space<vmem>>, %arg6: memref<1x8448x80xf32, #tpu.memory_space<vmem>>) attributes {dimension_semantics = [#tpu.dimension_semantics<parallel>], iteration_bounds = array<i64: 16>, scalar_prefetch = 0 : i64, scratch_operands = 0 : i64, tpu.core_type = #tpu.core_type<tc>, window_params = [{pipeline_mode = #tpu.pipeline_mode<synchronous>, transform_indices = @transform_0, window_bounds = array<i64: 8, 8448>}, {transform_indices = @transform_1, window_bounds = array<i64: 1, 64, 8>}, {transform_indices = @transform_2, window_bounds = array<i64: 1, 8, 64>}, {transform_indices = @transform_3, window_bounds = array<i64: 1, 1, 8448>}, {transform_indices = @transform_4, window_bounds = array<i64: 1, 8448, 4>}, {transform_indices = @transform_5, window_bounds = array<i64: 1, 8448, 80>}]} {
    %get3A = arith.constant 0 : index
    %get3A_0 = arith.constant 0 : index
    %get3A_1 = vector.load %arg1[%get3A, %get3A_0] : memref<8x8448xf32, #tpu.memory_space<vmem>>, vector<8x8448xf32>
    %slice3A = vector.extract_strided_slice %get3A_1 {offsets = [0, 0], sizes = [1, 8448], strides = [1, 1]} : vector<8x8448xf32> to vector<1x8448xf32>
    %slice3A_2 = vector.extract_strided_slice %get3A_1 {offsets = [1, 0], sizes = [1, 8448], strides = [1, 1]} : vector<8x8448xf32> to vector<1x8448xf32>
    %slice3A_3 = vector.extract_strided_slice %get3A_1 {offsets = [2, 0], sizes = [1, 8448], strides = [1, 1]} : vector<8x8448xf32> to vector<1x8448xf32>
    %slice3A_4 = vector.extract_strided_slice %get3A_1 {offsets = [3, 0], sizes = [1, 8448], strides = [1, 1]} : vector<8x8448xf32> to vector<1x8448xf32>
    %get3A_5 = arith.constant 0 : index
    %get3A_6 = arith.constant 0 : index
    %get3A_7 = arith.constant 0 : index
    %get3A_8 = vector.load %arg2[%get3A_5, %get3A_6, %get3A_7] : memref<1x64x8xf32, #tpu.memory_space<vmem>>, vector<1x64x8xf32>
    %get3A_9 = vector.shape_cast %get3A_8 : vector<1x64x8xf32> to vector<64x8xf32>
    %slice3A_10 = vector.extract_strided_slice %get3A_9 {offsets = [0, 0], sizes = [64, 1], strides = [1, 1]} : vector<64x8xf32> to vector<64x1xf32>
    %slice3A_11 = vector.extract_strided_slice %get3A_9 {offsets = [0, 1], sizes = [64, 1], strides = [1, 1]} : vector<64x8xf32> to vector<64x1xf32>
    %slice3A_12 = vector.extract_strided_slice %get3A_9 {offsets = [0, 2], sizes = [64, 1], strides = [1, 1]} : vector<64x8xf32> to vector<64x1xf32>
    %slice3A_13 = vector.extract_strided_slice %get3A_9 {offsets = [0, 3], sizes = [64, 1], strides = [1, 1]} : vector<64x8xf32> to vector<64x1xf32>
    %slice3A_14 = vector.extract_strided_slice %get3A_9 {offsets = [0, 4], sizes = [64, 1], strides = [1, 1]} : vector<64x8xf32> to vector<64x1xf32>
    %slice3A_15 = vector.extract_strided_slice %get3A_9 {offsets = [0, 5], sizes = [64, 1], strides = [1, 1]} : vector<64x8xf32> to vector<64x1xf32>
    %add3A = arith.addf %slice3A, %slice3A_3 : vector<1x8448xf32>
    %mul3A = arith.constant 5.000000e-01 : f32
    %mul3A_16 = vector.broadcast %mul3A : f32 to vector<1x8448xf32>
    %mul3A_17 = arith.mulf %add3A, %mul3A_16 : vector<1x8448xf32>
    %add3A_18 = arith.addf %slice3A_2, %slice3A_4 : vector<1x8448xf32>
    %mul3A_19 = arith.constant 5.000000e-01 : f32
    %mul3A_20 = vector.broadcast %mul3A_19 : f32 to vector<1x8448xf32>
    %mul3A_21 = arith.mulf %add3A_18, %mul3A_20 : vector<1x8448xf32>
    %sub3A = arith.subf %slice3A_3, %slice3A : vector<1x8448xf32>
    %sub3A_22 = arith.subf %slice3A_4, %slice3A_2 : vector<1x8448xf32>
    %mul3A_23 = arith.mulf %sub3A, %sub3A_22 : vector<1x8448xf32>
    %add3A_24 = arith.addf %slice3A_10, %slice3A_12 : vector<64x1xf32>
    %mul3A_25 = arith.constant 5.000000e-01 : f32
    %mul3A_26 = vector.broadcast %mul3A_25 : f32 to vector<64x1xf32>
    %mul3A_27 = arith.mulf %add3A_24, %mul3A_26 : vector<64x1xf32>
    %add3A_28 = arith.addf %slice3A_11, %slice3A_13 : vector<64x1xf32>
    %mul3A_29 = arith.constant 5.000000e-01 : f32
    %mul3A_30 = vector.broadcast %mul3A_29 : f32 to vector<64x1xf32>
    %mul3A_31 = arith.mulf %add3A_28, %mul3A_30 : vector<64x1xf32>
    %sub3A_32 = arith.subf %slice3A_12, %slice3A_10 : vector<64x1xf32>
    %sub3A_33 = arith.subf %slice3A_13, %slice3A_11 : vector<64x1xf32>
    %mul3A_34 = arith.mulf %sub3A_32, %sub3A_33 : vector<64x1xf32>
    %sub3A_35 = vector.broadcast %mul3A_27 : vector<64x1xf32> to vector<64x8448xf32>
    %sub3A_36 = vector.broadcast %mul3A_17 : vector<1x8448xf32> to vector<64x8448xf32>
    %sub3A_37 = arith.subf %sub3A_35, %sub3A_36 : vector<64x8448xf32>
    %sub3A_38 = vector.broadcast %mul3A_31 : vector<64x1xf32> to vector<64x8448xf32>
    %sub3A_39 = vector.broadcast %mul3A_21 : vector<1x8448xf32> to vector<64x8448xf32>
    %sub3A_40 = arith.subf %sub3A_38, %sub3A_39 : vector<64x8448xf32>
    %iota3A = tpu.iota {dimensions = array<i32: 1>} : vector<1x8448xi32>
    %lt3A = arith.constant 8400 : i32
    %lt3A_41 = vector.broadcast %lt3A : i32 to vector<1x8448xi32>
    %lt3A_42 = arith.cmpi slt, %iota3A, %lt3A_41 : vector<1x8448xi32>
    %mul3A_43 = arith.mulf %sub3A_37, %sub3A_37 : vector<64x8448xf32>
    %mul3A_44 = arith.mulf %sub3A_40, %sub3A_40 : vector<64x8448xf32>
    %add3A_45 = arith.addf %mul3A_43, %mul3A_44 : vector<64x8448xf32>
    %sqrt3A = math.sqrt %add3A_45 : vector<64x8448xf32>
    %jit3A = arith.constant 3.000000e+38 : f32
    %broadcast_in_dim3A = vector.shape_cast %lt3A_42 : vector<1x8448xi1> to vector<1x8448xi1>
    %broadcast_in_dim3A_46 = vector.broadcast %broadcast_in_dim3A : vector<1x8448xi1> to vector<64x8448xi1>
    %broadcast_in_dim3A_47 = vector.broadcast %jit3A : f32 to vector<64x8448xf32>
    %select_n3A = arith.select %broadcast_in_dim3A_46, %sqrt3A, %broadcast_in_dim3A_47 : vector<64x8448xi1>, vector<64x8448xf32>
    %slice3A_48 = vector.extract_strided_slice %select_n3A {offsets = [0, 0], sizes = [64, 6400], strides = [1, 1]} : vector<64x8448xf32> to vector<64x6400xf32>
    %iota3A_49 = tpu.iota {dimensions = array<i32: 1>} : vector<64x6400xi32>
    %broadcast_in_dim3A_50 = arith.constant 0.000000e+00 : f32
    %broadcast_in_dim3A_51 = vector.broadcast %broadcast_in_dim3A_50 : f32 to vector<64x6400xf32>
    %reduce_min3A = arith.constant dense<0x7F800000> : vector<64xf32>
    %reduce_min3A_52 = vector.multi_reduction <minimumf>, %slice3A_48, %reduce_min3A [1] : vector<64x6400xf32> to vector<64xf32>
    %broadcast_in_dim3A_53 = vector.shape_cast %reduce_min3A_52 : vector<64xf32> to vector<64x1xf32>
    %eq3A = vector.broadcast %broadcast_in_dim3A_53 : vector<64x1xf32> to vector<64x6400xf32>
    %eq3A_54 = arith.cmpf oeq, %slice3A_48, %eq3A : vector<64x6400xf32>
    %jit3A_55 = arith.constant 1073741824 : i32
    %broadcast_in_dim3A_56 = vector.broadcast %jit3A_55 : i32 to vector<64x6400xi32>
    %select_n3A_57 = arith.select %eq3A_54, %iota3A_49, %broadcast_in_dim3A_56 : vector<64x6400xi1>, vector<64x6400xi32>
    %reduce_min3A_58 = arith.constant dense<2147483647> : vector<64xi32>
    %reduce_min3A_59 = vector.multi_reduction <minsi>, %select_n3A_57, %reduce_min3A_58 [1] : vector<64x6400xi32> to vector<64xi32>
    %broadcast_in_dim3A_60 = vector.shape_cast %reduce_min3A_59 : vector<64xi32> to vector<64x1xi32>
    %eq3A_61 = vector.broadcast %broadcast_in_dim3A_60 : vector<64x1xi32> to vector<64x6400xi32>
    %eq3A_62 = arith.cmpi eq, %iota3A_49, %eq3A_61 : vector<64x6400xi32>
    %convert_element_type3A = arith.extui %eq3A_62 : vector<64x6400xi1> to vector<64x6400xi32>
    %convert_element_type3A_63 = arith.sitofp %convert_element_type3A : vector<64x6400xi32> to vector<64x6400xf32>
    %add3A_64 = arith.addf %broadcast_in_dim3A_51, %convert_element_type3A_63 : vector<64x6400xf32>
    %jit3A_65 = arith.constant 3.000000e+38 : f32
    %broadcast_in_dim3A_66 = vector.broadcast %jit3A_65 : f32 to vector<64x6400xf32>
    %select_n3A_67 = arith.select %eq3A_62, %broadcast_in_dim3A_66, %slice3A_48 : vector<64x6400xi1>, vector<64x6400xf32>
    %reduce_min3A_68 = arith.constant dense<0x7F800000> : vector<64xf32>
    %reduce_min3A_69 = vector.multi_reduction <minimumf>, %select_n3A_67, %reduce_min3A_68 [1] : vector<64x6400xf32> to vector<64xf32>
    %broadcast_in_dim3A_70 = vector.shape_cast %reduce_min3A_69 : vector<64xf32> to vector<64x1xf32>
    %eq3A_71 = vector.broadcast %broadcast_in_dim3A_70 : vector<64x1xf32> to vector<64x6400xf32>
    %eq3A_72 = arith.cmpf oeq, %select_n3A_67, %eq3A_71 : vector<64x6400xf32>
    %jit3A_73 = arith.constant 1073741824 : i32
    %broadcast_in_dim3A_74 = vector.broadcast %jit3A_73 : i32 to vector<64x6400xi32>
    %select_n3A_75 = arith.select %eq3A_72, %iota3A_49, %broadcast_in_dim3A_74 : vector<64x6400xi1>, vector<64x6400xi32>
    %reduce_min3A_76 = arith.constant dense<2147483647> : vector<64xi32>
    %reduce_min3A_77 = vector.multi_reduction <minsi>, %select_n3A_75, %reduce_min3A_76 [1] : vector<64x6400xi32> to vector<64xi32>
    %broadcast_in_dim3A_78 = vector.shape_cast %reduce_min3A_77 : vector<64xi32> to vector<64x1xi32>
    %eq3A_79 = vector.broadcast %broadcast_in_dim3A_78 : vector<64x1xi32> to vector<64x6400xi32>
    %eq3A_80 = arith.cmpi eq, %iota3A_49, %eq3A_79 : vector<64x6400xi32>
    %convert_element_type3A_81 = arith.extui %eq3A_80 : vector<64x6400xi1> to vector<64x6400xi32>
    %convert_element_type3A_82 = arith.sitofp %convert_element_type3A_81 : vector<64x6400xi32> to vector<64x6400xf32>
    %add3A_83 = arith.addf %add3A_64, %convert_element_type3A_82 : vector<64x6400xf32>
    %jit3A_84 = arith.constant 3.000000e+38 : f32
    %broadcast_in_dim3A_85 = vector.broadcast %jit3A_84 : f32 to vector<64x6400xf32>
    %select_n3A_86 = arith.select %eq3A_80, %broadcast_in_dim3A_85, %select_n3A_67 : vector<64x6400xi1>, vector<64x6400xf32>
    %reduce_min3A_87 = arith.constant dense<0x7F800000> : vector<64xf32>
    %reduce_min3A_88 = vector.multi_reduction <minimumf>, %select_n3A_86, %reduce_min3A_87 [1] : vector<64x6400xf32> to vector<64xf32>
    %broadcast_in_dim3A_89 = vector.shape_cast %reduce_min3A_88 : vector<64xf32> to vector<64x1xf32>
    %eq3A_90 = vector.broadcast %broadcast_in_dim3A_89 : vector<64x1xf32> to vector<64x6400xf32>
    %eq3A_91 = arith.cmpf oeq, %select_n3A_86, %eq3A_90 : vector<64x6400xf32>
    %jit3A_92 = arith.constant 1073741824 : i32
    %broadcast_in_dim3A_93 = vector.broadcast %jit3A_92 : i32 to vector<64x6400xi32>
    %select_n3A_94 = arith.select %eq3A_91, %iota3A_49, %broadcast_in_dim3A_93 : vector<64x6400xi1>, vector<64x6400xi32>
    %reduce_min3A_95 = arith.constant dense<2147483647> : vector<64xi32>
    %reduce_min3A_96 = vector.multi_reduction <minsi>, %select_n3A_94, %reduce_min3A_95 [1] : vector<64x6400xi32> to vector<64xi32>
    %broadcast_in_dim3A_97 = vector.shape_cast %reduce_min3A_96 : vector<64xi32> to vector<64x1xi32>
    %eq3A_98 = vector.broadcast %broadcast_in_dim3A_97 : vector<64x1xi32> to vector<64x6400xi32>
    %eq3A_99 = arith.cmpi eq, %iota3A_49, %eq3A_98 : vector<64x6400xi32>
    %convert_element_type3A_100 = arith.extui %eq3A_99 : vector<64x6400xi1> to vector<64x6400xi32>
    %convert_element_type3A_101 = arith.sitofp %convert_element_type3A_100 : vector<64x6400xi32> to vector<64x6400xf32>
    %add3A_102 = arith.addf %add3A_83, %convert_element_type3A_101 : vector<64x6400xf32>
    %jit3A_103 = arith.constant 3.000000e+38 : f32
    %broadcast_in_dim3A_104 = vector.broadcast %jit3A_103 : f32 to vector<64x6400xf32>
    %select_n3A_105 = arith.select %eq3A_99, %broadcast_in_dim3A_104, %select_n3A_86 : vector<64x6400xi1>, vector<64x6400xf32>
    %reduce_min3A_106 = arith.constant dense<0x7F800000> : vector<64xf32>
    %reduce_min3A_107 = vector.multi_reduction <minimumf>, %select_n3A_105, %reduce_min3A_106 [1] : vector<64x6400xf32> to vector<64xf32>
    %broadcast_in_dim3A_108 = vector.shape_cast %reduce_min3A_107 : vector<64xf32> to vector<64x1xf32>
    %eq3A_109 = vector.broadcast %broadcast_in_dim3A_108 : vector<64x1xf32> to vector<64x6400xf32>
    %eq3A_110 = arith.cmpf oeq, %select_n3A_105, %eq3A_109 : vector<64x6400xf32>
    %jit3A_111 = arith.constant 1073741824 : i32
    %broadcast_in_dim3A_112 = vector.broadcast %jit3A_111 : i32 to vector<64x6400xi32>
    %select_n3A_113 = arith.select %eq3A_110, %iota3A_49, %broadcast_in_dim3A_112 : vector<64x6400xi1>, vector<64x6400xi32>
    %reduce_min3A_114 = arith.constant dense<2147483647> : vector<64xi32>
    %reduce_min3A_115 = vector.multi_reduction <minsi>, %select_n3A_113, %reduce_min3A_114 [1] : vector<64x6400xi32> to vector<64xi32>
    %broadcast_in_dim3A_116 = vector.shape_cast %reduce_min3A_115 : vector<64xi32> to vector<64x1xi32>
    %eq3A_117 = vector.broadcast %broadcast_in_dim3A_116 : vector<64x1xi32> to vector<64x6400xi32>
    %eq3A_118 = arith.cmpi eq, %iota3A_49, %eq3A_117 : vector<64x6400xi32>
    %convert_element_type3A_119 = arith.extui %eq3A_118 : vector<64x6400xi1> to vector<64x6400xi32>
    %convert_element_type3A_120 = arith.sitofp %convert_element_type3A_119 : vector<64x6400xi32> to vector<64x6400xf32>
    %add3A_121 = arith.addf %add3A_102, %convert_element_type3A_120 : vector<64x6400xf32>
    %jit3A_122 = arith.constant 3.000000e+38 : f32
    %broadcast_in_dim3A_123 = vector.broadcast %jit3A_122 : f32 to vector<64x6400xf32>
    %select_n3A_124 = arith.select %eq3A_118, %broadcast_in_dim3A_123, %select_n3A_105 : vector<64x6400xi1>, vector<64x6400xf32>
    %reduce_min3A_125 = arith.constant dense<0x7F800000> : vector<64xf32>
    %reduce_min3A_126 = vector.multi_reduction <minimumf>, %select_n3A_124, %reduce_min3A_125 [1] : vector<64x6400xf32> to vector<64xf32>
    %broadcast_in_dim3A_127 = vector.shape_cast %reduce_min3A_126 : vector<64xf32> to vector<64x1xf32>
    %eq3A_128 = vector.broadcast %broadcast_in_dim3A_127 : vector<64x1xf32> to vector<64x6400xf32>
    %eq3A_129 = arith.cmpf oeq, %select_n3A_124, %eq3A_128 : vector<64x6400xf32>
    %jit3A_130 = arith.constant 1073741824 : i32
    %broadcast_in_dim3A_131 = vector.broadcast %jit3A_130 : i32 to vector<64x6400xi32>
    %select_n3A_132 = arith.select %eq3A_129, %iota3A_49, %broadcast_in_dim3A_131 : vector<64x6400xi1>, vector<64x6400xi32>
    %reduce_min3A_133 = arith.constant dense<2147483647> : vector<64xi32>
    %reduce_min3A_134 = vector.multi_reduction <minsi>, %select_n3A_132, %reduce_min3A_133 [1] : vector<64x6400xi32> to vector<64xi32>
    %broadcast_in_dim3A_135 = vector.shape_cast %reduce_min3A_134 : vector<64xi32> to vector<64x1xi32>
    %eq3A_136 = vector.broadcast %broadcast_in_dim3A_135 : vector<64x1xi32> to vector<64x6400xi32>
    %eq3A_137 = arith.cmpi eq, %iota3A_49, %eq3A_136 : vector<64x6400xi32>
    %convert_element_type3A_138 = arith.extui %eq3A_137 : vector<64x6400xi1> to vector<64x6400xi32>
    %convert_element_type3A_139 = arith.sitofp %convert_element_type3A_138 : vector<64x6400xi32> to vector<64x6400xf32>
    %add3A_140 = arith.addf %add3A_121, %convert_element_type3A_139 : vector<64x6400xf32>
    %jit3A_141 = arith.constant 3.000000e+38 : f32
    %broadcast_in_dim3A_142 = vector.broadcast %jit3A_141 : f32 to vector<64x6400xf32>
    %select_n3A_143 = arith.select %eq3A_137, %broadcast_in_dim3A_142, %select_n3A_124 : vector<64x6400xi1>, vector<64x6400xf32>
    %reduce_min3A_144 = arith.constant dense<0x7F800000> : vector<64xf32>
    %reduce_min3A_145 = vector.multi_reduction <minimumf>, %select_n3A_143, %reduce_min3A_144 [1] : vector<64x6400xf32> to vector<64xf32>
    %broadcast_in_dim3A_146 = vector.shape_cast %reduce_min3A_145 : vector<64xf32> to vector<64x1xf32>
    %eq3A_147 = vector.broadcast %broadcast_in_dim3A_146 : vector<64x1xf32> to vector<64x6400xf32>
    %eq3A_148 = arith.cmpf oeq, %select_n3A_143, %eq3A_147 : vector<64x6400xf32>
    %jit3A_149 = arith.constant 1073741824 : i32
    %broadcast_in_dim3A_150 = vector.broadcast %jit3A_149 : i32 to vector<64x6400xi32>
    %select_n3A_151 = arith.select %eq3A_148, %iota3A_49, %broadcast_in_dim3A_150 : vector<64x6400xi1>, vector<64x6400xi32>
    %reduce_min3A_152 = arith.constant dense<2147483647> : vector<64xi32>
    %reduce_min3A_153 = vector.multi_reduction <minsi>, %select_n3A_151, %reduce_min3A_152 [1] : vector<64x6400xi32> to vector<64xi32>
    %broadcast_in_dim3A_154 = vector.shape_cast %reduce_min3A_153 : vector<64xi32> to vector<64x1xi32>
    %eq3A_155 = vector.broadcast %broadcast_in_dim3A_154 : vector<64x1xi32> to vector<64x6400xi32>
    %eq3A_156 = arith.cmpi eq, %iota3A_49, %eq3A_155 : vector<64x6400xi32>
    %convert_element_type3A_157 = arith.extui %eq3A_156 : vector<64x6400xi1> to vector<64x6400xi32>
    %convert_element_type3A_158 = arith.sitofp %convert_element_type3A_157 : vector<64x6400xi32> to vector<64x6400xf32>
    %add3A_159 = arith.addf %add3A_140, %convert_element_type3A_158 : vector<64x6400xf32>
    %jit3A_160 = arith.constant 3.000000e+38 : f32
    %broadcast_in_dim3A_161 = vector.broadcast %jit3A_160 : f32 to vector<64x6400xf32>
    %select_n3A_162 = arith.select %eq3A_156, %broadcast_in_dim3A_161, %select_n3A_143 : vector<64x6400xi1>, vector<64x6400xf32>
    %reduce_min3A_163 = arith.constant dense<0x7F800000> : vector<64xf32>
    %reduce_min3A_164 = vector.multi_reduction <minimumf>, %select_n3A_162, %reduce_min3A_163 [1] : vector<64x6400xf32> to vector<64xf32>
    %broadcast_in_dim3A_165 = vector.shape_cast %reduce_min3A_164 : vector<64xf32> to vector<64x1xf32>
    %eq3A_166 = vector.broadcast %broadcast_in_dim3A_165 : vector<64x1xf32> to vector<64x6400xf32>
    %eq3A_167 = arith.cmpf oeq, %select_n3A_162, %eq3A_166 : vector<64x6400xf32>
    %jit3A_168 = arith.constant 1073741824 : i32
    %broadcast_in_dim3A_169 = vector.broadcast %jit3A_168 : i32 to vector<64x6400xi32>
    %select_n3A_170 = arith.select %eq3A_167, %iota3A_49, %broadcast_in_dim3A_169 : vector<64x6400xi1>, vector<64x6400xi32>
    %reduce_min3A_171 = arith.constant dense<2147483647> : vector<64xi32>
    %reduce_min3A_172 = vector.multi_reduction <minsi>, %select_n3A_170, %reduce_min3A_171 [1] : vector<64x6400xi32> to vector<64xi32>
    %broadcast_in_dim3A_173 = vector.shape_cast %reduce_min3A_172 : vector<64xi32> to vector<64x1xi32>
    %eq3A_174 = vector.broadcast %broadcast_in_dim3A_173 : vector<64x1xi32> to vector<64x6400xi32>
    %eq3A_175 = arith.cmpi eq, %iota3A_49, %eq3A_174 : vector<64x6400xi32>
    %convert_element_type3A_176 = arith.extui %eq3A_175 : vector<64x6400xi1> to vector<64x6400xi32>
    %convert_element_type3A_177 = arith.sitofp %convert_element_type3A_176 : vector<64x6400xi32> to vector<64x6400xf32>
    %add3A_178 = arith.addf %add3A_159, %convert_element_type3A_177 : vector<64x6400xf32>
    %jit3A_179 = arith.constant 3.000000e+38 : f32
    %broadcast_in_dim3A_180 = vector.broadcast %jit3A_179 : f32 to vector<64x6400xf32>
    %select_n3A_181 = arith.select %eq3A_175, %broadcast_in_dim3A_180, %select_n3A_162 : vector<64x6400xi1>, vector<64x6400xf32>
    %reduce_min3A_182 = arith.constant dense<0x7F800000> : vector<64xf32>
    %reduce_min3A_183 = vector.multi_reduction <minimumf>, %select_n3A_181, %reduce_min3A_182 [1] : vector<64x6400xf32> to vector<64xf32>
    %broadcast_in_dim3A_184 = vector.shape_cast %reduce_min3A_183 : vector<64xf32> to vector<64x1xf32>
    %eq3A_185 = vector.broadcast %broadcast_in_dim3A_184 : vector<64x1xf32> to vector<64x6400xf32>
    %eq3A_186 = arith.cmpf oeq, %select_n3A_181, %eq3A_185 : vector<64x6400xf32>
    %jit3A_187 = arith.constant 1073741824 : i32
    %broadcast_in_dim3A_188 = vector.broadcast %jit3A_187 : i32 to vector<64x6400xi32>
    %select_n3A_189 = arith.select %eq3A_186, %iota3A_49, %broadcast_in_dim3A_188 : vector<64x6400xi1>, vector<64x6400xi32>
    %reduce_min3A_190 = arith.constant dense<2147483647> : vector<64xi32>
    %reduce_min3A_191 = vector.multi_reduction <minsi>, %select_n3A_189, %reduce_min3A_190 [1] : vector<64x6400xi32> to vector<64xi32>
    %broadcast_in_dim3A_192 = vector.shape_cast %reduce_min3A_191 : vector<64xi32> to vector<64x1xi32>
    %eq3A_193 = vector.broadcast %broadcast_in_dim3A_192 : vector<64x1xi32> to vector<64x6400xi32>
    %eq3A_194 = arith.cmpi eq, %iota3A_49, %eq3A_193 : vector<64x6400xi32>
    %convert_element_type3A_195 = arith.extui %eq3A_194 : vector<64x6400xi1> to vector<64x6400xi32>
    %convert_element_type3A_196 = arith.sitofp %convert_element_type3A_195 : vector<64x6400xi32> to vector<64x6400xf32>
    %add3A_197 = arith.addf %add3A_178, %convert_element_type3A_196 : vector<64x6400xf32>
    %jit3A_198 = arith.constant 3.000000e+38 : f32
    %broadcast_in_dim3A_199 = vector.broadcast %jit3A_198 : f32 to vector<64x6400xf32>
    %select_n3A_200 = arith.select %eq3A_194, %broadcast_in_dim3A_199, %select_n3A_181 : vector<64x6400xi1>, vector<64x6400xf32>
    %reduce_min3A_201 = arith.constant dense<0x7F800000> : vector<64xf32>
    %reduce_min3A_202 = vector.multi_reduction <minimumf>, %select_n3A_200, %reduce_min3A_201 [1] : vector<64x6400xf32> to vector<64xf32>
    %broadcast_in_dim3A_203 = vector.shape_cast %reduce_min3A_202 : vector<64xf32> to vector<64x1xf32>
    %eq3A_204 = vector.broadcast %broadcast_in_dim3A_203 : vector<64x1xf32> to vector<64x6400xf32>
    %eq3A_205 = arith.cmpf oeq, %select_n3A_200, %eq3A_204 : vector<64x6400xf32>
    %jit3A_206 = arith.constant 1073741824 : i32
    %broadcast_in_dim3A_207 = vector.broadcast %jit3A_206 : i32 to vector<64x6400xi32>
    %select_n3A_208 = arith.select %eq3A_205, %iota3A_49, %broadcast_in_dim3A_207 : vector<64x6400xi1>, vector<64x6400xi32>
    %reduce_min3A_209 = arith.constant dense<2147483647> : vector<64xi32>
    %reduce_min3A_210 = vector.multi_reduction <minsi>, %select_n3A_208, %reduce_min3A_209 [1] : vector<64x6400xi32> to vector<64xi32>
    %broadcast_in_dim3A_211 = vector.shape_cast %reduce_min3A_210 : vector<64xi32> to vector<64x1xi32>
    %eq3A_212 = vector.broadcast %broadcast_in_dim3A_211 : vector<64x1xi32> to vector<64x6400xi32>
    %eq3A_213 = arith.cmpi eq, %iota3A_49, %eq3A_212 : vector<64x6400xi32>
    %convert_element_type3A_214 = arith.extui %eq3A_213 : vector<64x6400xi1> to vector<64x6400xi32>
    %convert_element_type3A_215 = arith.sitofp %convert_element_type3A_214 : vector<64x6400xi32> to vector<64x6400xf32>
    %add3A_216 = arith.addf %add3A_197, %convert_element_type3A_215 : vector<64x6400xf32>
    %slice3A_217 = vector.extract_strided_slice %select_n3A {offsets = [0, 6400], sizes = [64, 2048], strides = [1, 1]} : vector<64x8448xf32> to vector<64x2048xf32>
    %iota3A_218 = tpu.iota {dimensions = array<i32: 1>} : vector<64x2048xi32>
    %lt3A_219 = arith.constant 1600 : i32
    %lt3A_220 = vector.broadcast %lt3A_219 : i32 to vector<64x2048xi32>
    %lt3A_221 = arith.cmpi slt, %iota3A_218, %lt3A_220 : vector<64x2048xi32>
    %jit3A_222 = arith.constant 3.000000e+38 : f32
    %broadcast_in_dim3A_223 = vector.broadcast %jit3A_222 : f32 to vector<64x2048xf32>
    %select_n3A_224 = arith.select %lt3A_221, %slice3A_217, %broadcast_in_dim3A_223 : vector<64x2048xi1>, vector<64x2048xf32>
    %iota3A_225 = tpu.iota {dimensions = array<i32: 1>} : vector<64x2048xi32>
    %broadcast_in_dim3A_226 = arith.constant 0.000000e+00 : f32
    %broadcast_in_dim3A_227 = vector.broadcast %broadcast_in_dim3A_226 : f32 to vector<64x2048xf32>
    %reduce_min3A_228 = arith.constant dense<0x7F800000> : vector<64xf32>
    %reduce_min3A_229 = vector.multi_reduction <minimumf>, %select_n3A_224, %reduce_min3A_228 [1] : vector<64x2048xf32> to vector<64xf32>
    %broadcast_in_dim3A_230 = vector.shape_cast %reduce_min3A_229 : vector<64xf32> to vector<64x1xf32>
    %eq3A_231 = vector.broadcast %broadcast_in_dim3A_230 : vector<64x1xf32> to vector<64x2048xf32>
    %eq3A_232 = arith.cmpf oeq, %select_n3A_224, %eq3A_231 : vector<64x2048xf32>
    %jit3A_233 = arith.constant 1073741824 : i32
    %broadcast_in_dim3A_234 = vector.broadcast %jit3A_233 : i32 to vector<64x2048xi32>
    %select_n3A_235 = arith.select %eq3A_232, %iota3A_225, %broadcast_in_dim3A_234 : vector<64x2048xi1>, vector<64x2048xi32>
    %reduce_min3A_236 = arith.constant dense<2147483647> : vector<64xi32>
    %reduce_min3A_237 = vector.multi_reduction <minsi>, %select_n3A_235, %reduce_min3A_236 [1] : vector<64x2048xi32> to vector<64xi32>
    %broadcast_in_dim3A_238 = vector.shape_cast %reduce_min3A_237 : vector<64xi32> to vector<64x1xi32>
    %eq3A_239 = vector.broadcast %broadcast_in_dim3A_238 : vector<64x1xi32> to vector<64x2048xi32>
    %eq3A_240 = arith.cmpi eq, %iota3A_225, %eq3A_239 : vector<64x2048xi32>
    %convert_element_type3A_241 = arith.extui %eq3A_240 : vector<64x2048xi1> to vector<64x2048xi32>
    %convert_element_type3A_242 = arith.sitofp %convert_element_type3A_241 : vector<64x2048xi32> to vector<64x2048xf32>
    %add3A_243 = arith.addf %broadcast_in_dim3A_227, %convert_element_type3A_242 : vector<64x2048xf32>
    %jit3A_244 = arith.constant 3.000000e+38 : f32
    %broadcast_in_dim3A_245 = vector.broadcast %jit3A_244 : f32 to vector<64x2048xf32>
    %select_n3A_246 = arith.select %eq3A_240, %broadcast_in_dim3A_245, %select_n3A_224 : vector<64x2048xi1>, vector<64x2048xf32>
    %reduce_min3A_247 = arith.constant dense<0x7F800000> : vector<64xf32>
    %reduce_min3A_248 = vector.multi_reduction <minimumf>, %select_n3A_246, %reduce_min3A_247 [1] : vector<64x2048xf32> to vector<64xf32>
    %broadcast_in_dim3A_249 = vector.shape_cast %reduce_min3A_248 : vector<64xf32> to vector<64x1xf32>
    %eq3A_250 = vector.broadcast %broadcast_in_dim3A_249 : vector<64x1xf32> to vector<64x2048xf32>
    %eq3A_251 = arith.cmpf oeq, %select_n3A_246, %eq3A_250 : vector<64x2048xf32>
    %jit3A_252 = arith.constant 1073741824 : i32
    %broadcast_in_dim3A_253 = vector.broadcast %jit3A_252 : i32 to vector<64x2048xi32>
    %select_n3A_254 = arith.select %eq3A_251, %iota3A_225, %broadcast_in_dim3A_253 : vector<64x2048xi1>, vector<64x2048xi32>
    %reduce_min3A_255 = arith.constant dense<2147483647> : vector<64xi32>
    %reduce_min3A_256 = vector.multi_reduction <minsi>, %select_n3A_254, %reduce_min3A_255 [1] : vector<64x2048xi32> to vector<64xi32>
    %broadcast_in_dim3A_257 = vector.shape_cast %reduce_min3A_256 : vector<64xi32> to vector<64x1xi32>
    %eq3A_258 = vector.broadcast %broadcast_in_dim3A_257 : vector<64x1xi32> to vector<64x2048xi32>
    %eq3A_259 = arith.cmpi eq, %iota3A_225, %eq3A_258 : vector<64x2048xi32>
    %convert_element_type3A_260 = arith.extui %eq3A_259 : vector<64x2048xi1> to vector<64x2048xi32>
    %convert_element_type3A_261 = arith.sitofp %convert_element_type3A_260 : vector<64x2048xi32> to vector<64x2048xf32>
    %add3A_262 = arith.addf %add3A_243, %convert_element_type3A_261 : vector<64x2048xf32>
    %jit3A_263 = arith.constant 3.000000e+38 : f32
    %broadcast_in_dim3A_264 = vector.broadcast %jit3A_263 : f32 to vector<64x2048xf32>
    %select_n3A_265 = arith.select %eq3A_259, %broadcast_in_dim3A_264, %select_n3A_246 : vector<64x2048xi1>, vector<64x2048xf32>
    %reduce_min3A_266 = arith.constant dense<0x7F800000> : vector<64xf32>
    %reduce_min3A_267 = vector.multi_reduction <minimumf>, %select_n3A_265, %reduce_min3A_266 [1] : vector<64x2048xf32> to vector<64xf32>
    %broadcast_in_dim3A_268 = vector.shape_cast %reduce_min3A_267 : vector<64xf32> to vector<64x1xf32>
    %eq3A_269 = vector.broadcast %broadcast_in_dim3A_268 : vector<64x1xf32> to vector<64x2048xf32>
    %eq3A_270 = arith.cmpf oeq, %select_n3A_265, %eq3A_269 : vector<64x2048xf32>
    %jit3A_271 = arith.constant 1073741824 : i32
    %broadcast_in_dim3A_272 = vector.broadcast %jit3A_271 : i32 to vector<64x2048xi32>
    %select_n3A_273 = arith.select %eq3A_270, %iota3A_225, %broadcast_in_dim3A_272 : vector<64x2048xi1>, vector<64x2048xi32>
    %reduce_min3A_274 = arith.constant dense<2147483647> : vector<64xi32>
    %reduce_min3A_275 = vector.multi_reduction <minsi>, %select_n3A_273, %reduce_min3A_274 [1] : vector<64x2048xi32> to vector<64xi32>
    %broadcast_in_dim3A_276 = vector.shape_cast %reduce_min3A_275 : vector<64xi32> to vector<64x1xi32>
    %eq3A_277 = vector.broadcast %broadcast_in_dim3A_276 : vector<64x1xi32> to vector<64x2048xi32>
    %eq3A_278 = arith.cmpi eq, %iota3A_225, %eq3A_277 : vector<64x2048xi32>
    %convert_element_type3A_279 = arith.extui %eq3A_278 : vector<64x2048xi1> to vector<64x2048xi32>
    %convert_element_type3A_280 = arith.sitofp %convert_element_type3A_279 : vector<64x2048xi32> to vector<64x2048xf32>
    %add3A_281 = arith.addf %add3A_262, %convert_element_type3A_280 : vector<64x2048xf32>
    %jit3A_282 = arith.constant 3.000000e+38 : f32
    %broadcast_in_dim3A_283 = vector.broadcast %jit3A_282 : f32 to vector<64x2048xf32>
    %select_n3A_284 = arith.select %eq3A_278, %broadcast_in_dim3A_283, %select_n3A_265 : vector<64x2048xi1>, vector<64x2048xf32>
    %reduce_min3A_285 = arith.constant dense<0x7F800000> : vector<64xf32>
    %reduce_min3A_286 = vector.multi_reduction <minimumf>, %select_n3A_284, %reduce_min3A_285 [1] : vector<64x2048xf32> to vector<64xf32>
    %broadcast_in_dim3A_287 = vector.shape_cast %reduce_min3A_286 : vector<64xf32> to vector<64x1xf32>
    %eq3A_288 = vector.broadcast %broadcast_in_dim3A_287 : vector<64x1xf32> to vector<64x2048xf32>
    %eq3A_289 = arith.cmpf oeq, %select_n3A_284, %eq3A_288 : vector<64x2048xf32>
    %jit3A_290 = arith.constant 1073741824 : i32
    %broadcast_in_dim3A_291 = vector.broadcast %jit3A_290 : i32 to vector<64x2048xi32>
    %select_n3A_292 = arith.select %eq3A_289, %iota3A_225, %broadcast_in_dim3A_291 : vector<64x2048xi1>, vector<64x2048xi32>
    %reduce_min3A_293 = arith.constant dense<2147483647> : vector<64xi32>
    %reduce_min3A_294 = vector.multi_reduction <minsi>, %select_n3A_292, %reduce_min3A_293 [1] : vector<64x2048xi32> to vector<64xi32>
    %broadcast_in_dim3A_295 = vector.shape_cast %reduce_min3A_294 : vector<64xi32> to vector<64x1xi32>
    %eq3A_296 = vector.broadcast %broadcast_in_dim3A_295 : vector<64x1xi32> to vector<64x2048xi32>
    %eq3A_297 = arith.cmpi eq, %iota3A_225, %eq3A_296 : vector<64x2048xi32>
    %convert_element_type3A_298 = arith.extui %eq3A_297 : vector<64x2048xi1> to vector<64x2048xi32>
    %convert_element_type3A_299 = arith.sitofp %convert_element_type3A_298 : vector<64x2048xi32> to vector<64x2048xf32>
    %add3A_300 = arith.addf %add3A_281, %convert_element_type3A_299 : vector<64x2048xf32>
    %jit3A_301 = arith.constant 3.000000e+38 : f32
    %broadcast_in_dim3A_302 = vector.broadcast %jit3A_301 : f32 to vector<64x2048xf32>
    %select_n3A_303 = arith.select %eq3A_297, %broadcast_in_dim3A_302, %select_n3A_284 : vector<64x2048xi1>, vector<64x2048xf32>
    %reduce_min3A_304 = arith.constant dense<0x7F800000> : vector<64xf32>
    %reduce_min3A_305 = vector.multi_reduction <minimumf>, %select_n3A_303, %reduce_min3A_304 [1] : vector<64x2048xf32> to vector<64xf32>
    %broadcast_in_dim3A_306 = vector.shape_cast %reduce_min3A_305 : vector<64xf32> to vector<64x1xf32>
    %eq3A_307 = vector.broadcast %broadcast_in_dim3A_306 : vector<64x1xf32> to vector<64x2048xf32>
    %eq3A_308 = arith.cmpf oeq, %select_n3A_303, %eq3A_307 : vector<64x2048xf32>
    %jit3A_309 = arith.constant 1073741824 : i32
    %broadcast_in_dim3A_310 = vector.broadcast %jit3A_309 : i32 to vector<64x2048xi32>
    %select_n3A_311 = arith.select %eq3A_308, %iota3A_225, %broadcast_in_dim3A_310 : vector<64x2048xi1>, vector<64x2048xi32>
    %reduce_min3A_312 = arith.constant dense<2147483647> : vector<64xi32>
    %reduce_min3A_313 = vector.multi_reduction <minsi>, %select_n3A_311, %reduce_min3A_312 [1] : vector<64x2048xi32> to vector<64xi32>
    %broadcast_in_dim3A_314 = vector.shape_cast %reduce_min3A_313 : vector<64xi32> to vector<64x1xi32>
    %eq3A_315 = vector.broadcast %broadcast_in_dim3A_314 : vector<64x1xi32> to vector<64x2048xi32>
    %eq3A_316 = arith.cmpi eq, %iota3A_225, %eq3A_315 : vector<64x2048xi32>
    %convert_element_type3A_317 = arith.extui %eq3A_316 : vector<64x2048xi1> to vector<64x2048xi32>
    %convert_element_type3A_318 = arith.sitofp %convert_element_type3A_317 : vector<64x2048xi32> to vector<64x2048xf32>
    %add3A_319 = arith.addf %add3A_300, %convert_element_type3A_318 : vector<64x2048xf32>
    %jit3A_320 = arith.constant 3.000000e+38 : f32
    %broadcast_in_dim3A_321 = vector.broadcast %jit3A_320 : f32 to vector<64x2048xf32>
    %select_n3A_322 = arith.select %eq3A_316, %broadcast_in_dim3A_321, %select_n3A_303 : vector<64x2048xi1>, vector<64x2048xf32>
    %reduce_min3A_323 = arith.constant dense<0x7F800000> : vector<64xf32>
    %reduce_min3A_324 = vector.multi_reduction <minimumf>, %select_n3A_322, %reduce_min3A_323 [1] : vector<64x2048xf32> to vector<64xf32>
    %broadcast_in_dim3A_325 = vector.shape_cast %reduce_min3A_324 : vector<64xf32> to vector<64x1xf32>
    %eq3A_326 = vector.broadcast %broadcast_in_dim3A_325 : vector<64x1xf32> to vector<64x2048xf32>
    %eq3A_327 = arith.cmpf oeq, %select_n3A_322, %eq3A_326 : vector<64x2048xf32>
    %jit3A_328 = arith.constant 1073741824 : i32
    %broadcast_in_dim3A_329 = vector.broadcast %jit3A_328 : i32 to vector<64x2048xi32>
    %select_n3A_330 = arith.select %eq3A_327, %iota3A_225, %broadcast_in_dim3A_329 : vector<64x2048xi1>, vector<64x2048xi32>
    %reduce_min3A_331 = arith.constant dense<2147483647> : vector<64xi32>
    %reduce_min3A_332 = vector.multi_reduction <minsi>, %select_n3A_330, %reduce_min3A_331 [1] : vector<64x2048xi32> to vector<64xi32>
    %broadcast_in_dim3A_333 = vector.shape_cast %reduce_min3A_332 : vector<64xi32> to vector<64x1xi32>
    %eq3A_334 = vector.broadcast %broadcast_in_dim3A_333 : vector<64x1xi32> to vector<64x2048xi32>
    %eq3A_335 = arith.cmpi eq, %iota3A_225, %eq3A_334 : vector<64x2048xi32>
    %convert_element_type3A_336 = arith.extui %eq3A_335 : vector<64x2048xi1> to vector<64x2048xi32>
    %convert_element_type3A_337 = arith.sitofp %convert_element_type3A_336 : vector<64x2048xi32> to vector<64x2048xf32>
    %add3A_338 = arith.addf %add3A_319, %convert_element_type3A_337 : vector<64x2048xf32>
    %jit3A_339 = arith.constant 3.000000e+38 : f32
    %broadcast_in_dim3A_340 = vector.broadcast %jit3A_339 : f32 to vector<64x2048xf32>
    %select_n3A_341 = arith.select %eq3A_335, %broadcast_in_dim3A_340, %select_n3A_322 : vector<64x2048xi1>, vector<64x2048xf32>
    %reduce_min3A_342 = arith.constant dense<0x7F800000> : vector<64xf32>
    %reduce_min3A_343 = vector.multi_reduction <minimumf>, %select_n3A_341, %reduce_min3A_342 [1] : vector<64x2048xf32> to vector<64xf32>
    %broadcast_in_dim3A_344 = vector.shape_cast %reduce_min3A_343 : vector<64xf32> to vector<64x1xf32>
    %eq3A_345 = vector.broadcast %broadcast_in_dim3A_344 : vector<64x1xf32> to vector<64x2048xf32>
    %eq3A_346 = arith.cmpf oeq, %select_n3A_341, %eq3A_345 : vector<64x2048xf32>
    %jit3A_347 = arith.constant 1073741824 : i32
    %broadcast_in_dim3A_348 = vector.broadcast %jit3A_347 : i32 to vector<64x2048xi32>
    %select_n3A_349 = arith.select %eq3A_346, %iota3A_225, %broadcast_in_dim3A_348 : vector<64x2048xi1>, vector<64x2048xi32>
    %reduce_min3A_350 = arith.constant dense<2147483647> : vector<64xi32>
    %reduce_min3A_351 = vector.multi_reduction <minsi>, %select_n3A_349, %reduce_min3A_350 [1] : vector<64x2048xi32> to vector<64xi32>
    %broadcast_in_dim3A_352 = vector.shape_cast %reduce_min3A_351 : vector<64xi32> to vector<64x1xi32>
    %eq3A_353 = vector.broadcast %broadcast_in_dim3A_352 : vector<64x1xi32> to vector<64x2048xi32>
    %eq3A_354 = arith.cmpi eq, %iota3A_225, %eq3A_353 : vector<64x2048xi32>
    %convert_element_type3A_355 = arith.extui %eq3A_354 : vector<64x2048xi1> to vector<64x2048xi32>
    %convert_element_type3A_356 = arith.sitofp %convert_element_type3A_355 : vector<64x2048xi32> to vector<64x2048xf32>
    %add3A_357 = arith.addf %add3A_338, %convert_element_type3A_356 : vector<64x2048xf32>
    %jit3A_358 = arith.constant 3.000000e+38 : f32
    %broadcast_in_dim3A_359 = vector.broadcast %jit3A_358 : f32 to vector<64x2048xf32>
    %select_n3A_360 = arith.select %eq3A_354, %broadcast_in_dim3A_359, %select_n3A_341 : vector<64x2048xi1>, vector<64x2048xf32>
    %reduce_min3A_361 = arith.constant dense<0x7F800000> : vector<64xf32>
    %reduce_min3A_362 = vector.multi_reduction <minimumf>, %select_n3A_360, %reduce_min3A_361 [1] : vector<64x2048xf32> to vector<64xf32>
    %broadcast_in_dim3A_363 = vector.shape_cast %reduce_min3A_362 : vector<64xf32> to vector<64x1xf32>
    %eq3A_364 = vector.broadcast %broadcast_in_dim3A_363 : vector<64x1xf32> to vector<64x2048xf32>
    %eq3A_365 = arith.cmpf oeq, %select_n3A_360, %eq3A_364 : vector<64x2048xf32>
    %jit3A_366 = arith.constant 1073741824 : i32
    %broadcast_in_dim3A_367 = vector.broadcast %jit3A_366 : i32 to vector<64x2048xi32>
    %select_n3A_368 = arith.select %eq3A_365, %iota3A_225, %broadcast_in_dim3A_367 : vector<64x2048xi1>, vector<64x2048xi32>
    %reduce_min3A_369 = arith.constant dense<2147483647> : vector<64xi32>
    %reduce_min3A_370 = vector.multi_reduction <minsi>, %select_n3A_368, %reduce_min3A_369 [1] : vector<64x2048xi32> to vector<64xi32>
    %broadcast_in_dim3A_371 = vector.shape_cast %reduce_min3A_370 : vector<64xi32> to vector<64x1xi32>
    %eq3A_372 = vector.broadcast %broadcast_in_dim3A_371 : vector<64x1xi32> to vector<64x2048xi32>
    %eq3A_373 = arith.cmpi eq, %iota3A_225, %eq3A_372 : vector<64x2048xi32>
    %convert_element_type3A_374 = arith.extui %eq3A_373 : vector<64x2048xi1> to vector<64x2048xi32>
    %convert_element_type3A_375 = arith.sitofp %convert_element_type3A_374 : vector<64x2048xi32> to vector<64x2048xf32>
    %add3A_376 = arith.addf %add3A_357, %convert_element_type3A_375 : vector<64x2048xf32>
    %jit3A_377 = arith.constant 3.000000e+38 : f32
    %broadcast_in_dim3A_378 = vector.broadcast %jit3A_377 : f32 to vector<64x2048xf32>
    %select_n3A_379 = arith.select %eq3A_373, %broadcast_in_dim3A_378, %select_n3A_360 : vector<64x2048xi1>, vector<64x2048xf32>
    %reduce_min3A_380 = arith.constant dense<0x7F800000> : vector<64xf32>
    %reduce_min3A_381 = vector.multi_reduction <minimumf>, %select_n3A_379, %reduce_min3A_380 [1] : vector<64x2048xf32> to vector<64xf32>
    %broadcast_in_dim3A_382 = vector.shape_cast %reduce_min3A_381 : vector<64xf32> to vector<64x1xf32>
    %eq3A_383 = vector.broadcast %broadcast_in_dim3A_382 : vector<64x1xf32> to vector<64x2048xf32>
    %eq3A_384 = arith.cmpf oeq, %select_n3A_379, %eq3A_383 : vector<64x2048xf32>
    %jit3A_385 = arith.constant 1073741824 : i32
    %broadcast_in_dim3A_386 = vector.broadcast %jit3A_385 : i32 to vector<64x2048xi32>
    %select_n3A_387 = arith.select %eq3A_384, %iota3A_225, %broadcast_in_dim3A_386 : vector<64x2048xi1>, vector<64x2048xi32>
    %reduce_min3A_388 = arith.constant dense<2147483647> : vector<64xi32>
    %reduce_min3A_389 = vector.multi_reduction <minsi>, %select_n3A_387, %reduce_min3A_388 [1] : vector<64x2048xi32> to vector<64xi32>
    %broadcast_in_dim3A_390 = vector.shape_cast %reduce_min3A_389 : vector<64xi32> to vector<64x1xi32>
    %eq3A_391 = vector.broadcast %broadcast_in_dim3A_390 : vector<64x1xi32> to vector<64x2048xi32>
    %eq3A_392 = arith.cmpi eq, %iota3A_225, %eq3A_391 : vector<64x2048xi32>
    %convert_element_type3A_393 = arith.extui %eq3A_392 : vector<64x2048xi1> to vector<64x2048xi32>
    %convert_element_type3A_394 = arith.sitofp %convert_element_type3A_393 : vector<64x2048xi32> to vector<64x2048xf32>
    %add3A_395 = arith.addf %add3A_376, %convert_element_type3A_394 : vector<64x2048xf32>
    %ge3A = arith.constant 1600 : i32
    %ge3A_396 = vector.broadcast %ge3A : i32 to vector<64x2048xi32>
    %ge3A_397 = arith.cmpi sge, %iota3A_218, %ge3A_396 : vector<64x2048xi32>
    %jit3A_398 = arith.constant 3.000000e+38 : f32
    %broadcast_in_dim3A_399 = vector.broadcast %jit3A_398 : f32 to vector<64x2048xf32>
    %select_n3A_400 = arith.select %ge3A_397, %slice3A_217, %broadcast_in_dim3A_399 : vector<64x2048xi1>, vector<64x2048xf32>
    %iota3A_401 = tpu.iota {dimensions = array<i32: 1>} : vector<64x2048xi32>
    %broadcast_in_dim3A_402 = arith.constant 0.000000e+00 : f32
    %broadcast_in_dim3A_403 = vector.broadcast %broadcast_in_dim3A_402 : f32 to vector<64x2048xf32>
    %reduce_min3A_404 = arith.constant dense<0x7F800000> : vector<64xf32>
    %reduce_min3A_405 = vector.multi_reduction <minimumf>, %select_n3A_400, %reduce_min3A_404 [1] : vector<64x2048xf32> to vector<64xf32>
    %broadcast_in_dim3A_406 = vector.shape_cast %reduce_min3A_405 : vector<64xf32> to vector<64x1xf32>
    %eq3A_407 = vector.broadcast %broadcast_in_dim3A_406 : vector<64x1xf32> to vector<64x2048xf32>
    %eq3A_408 = arith.cmpf oeq, %select_n3A_400, %eq3A_407 : vector<64x2048xf32>
    %jit3A_409 = arith.constant 1073741824 : i32
    %broadcast_in_dim3A_410 = vector.broadcast %jit3A_409 : i32 to vector<64x2048xi32>
    %select_n3A_411 = arith.select %eq3A_408, %iota3A_401, %broadcast_in_dim3A_410 : vector<64x2048xi1>, vector<64x2048xi32>
    %reduce_min3A_412 = arith.constant dense<2147483647> : vector<64xi32>
    %reduce_min3A_413 = vector.multi_reduction <minsi>, %select_n3A_411, %reduce_min3A_412 [1] : vector<64x2048xi32> to vector<64xi32>
    %broadcast_in_dim3A_414 = vector.shape_cast %reduce_min3A_413 : vector<64xi32> to vector<64x1xi32>
    %eq3A_415 = vector.broadcast %broadcast_in_dim3A_414 : vector<64x1xi32> to vector<64x2048xi32>
    %eq3A_416 = arith.cmpi eq, %iota3A_401, %eq3A_415 : vector<64x2048xi32>
    %convert_element_type3A_417 = arith.extui %eq3A_416 : vector<64x2048xi1> to vector<64x2048xi32>
    %convert_element_type3A_418 = arith.sitofp %convert_element_type3A_417 : vector<64x2048xi32> to vector<64x2048xf32>
    %add3A_419 = arith.addf %broadcast_in_dim3A_403, %convert_element_type3A_418 : vector<64x2048xf32>
    %jit3A_420 = arith.constant 3.000000e+38 : f32
    %broadcast_in_dim3A_421 = vector.broadcast %jit3A_420 : f32 to vector<64x2048xf32>
    %select_n3A_422 = arith.select %eq3A_416, %broadcast_in_dim3A_421, %select_n3A_400 : vector<64x2048xi1>, vector<64x2048xf32>
    %reduce_min3A_423 = arith.constant dense<0x7F800000> : vector<64xf32>
    %reduce_min3A_424 = vector.multi_reduction <minimumf>, %select_n3A_422, %reduce_min3A_423 [1] : vector<64x2048xf32> to vector<64xf32>
    %broadcast_in_dim3A_425 = vector.shape_cast %reduce_min3A_424 : vector<64xf32> to vector<64x1xf32>
    %eq3A_426 = vector.broadcast %broadcast_in_dim3A_425 : vector<64x1xf32> to vector<64x2048xf32>
    %eq3A_427 = arith.cmpf oeq, %select_n3A_422, %eq3A_426 : vector<64x2048xf32>
    %jit3A_428 = arith.constant 1073741824 : i32
    %broadcast_in_dim3A_429 = vector.broadcast %jit3A_428 : i32 to vector<64x2048xi32>
    %select_n3A_430 = arith.select %eq3A_427, %iota3A_401, %broadcast_in_dim3A_429 : vector<64x2048xi1>, vector<64x2048xi32>
    %reduce_min3A_431 = arith.constant dense<2147483647> : vector<64xi32>
    %reduce_min3A_432 = vector.multi_reduction <minsi>, %select_n3A_430, %reduce_min3A_431 [1] : vector<64x2048xi32> to vector<64xi32>
    %broadcast_in_dim3A_433 = vector.shape_cast %reduce_min3A_432 : vector<64xi32> to vector<64x1xi32>
    %eq3A_434 = vector.broadcast %broadcast_in_dim3A_433 : vector<64x1xi32> to vector<64x2048xi32>
    %eq3A_435 = arith.cmpi eq, %iota3A_401, %eq3A_434 : vector<64x2048xi32>
    %convert_element_type3A_436 = arith.extui %eq3A_435 : vector<64x2048xi1> to vector<64x2048xi32>
    %convert_element_type3A_437 = arith.sitofp %convert_element_type3A_436 : vector<64x2048xi32> to vector<64x2048xf32>
    %add3A_438 = arith.addf %add3A_419, %convert_element_type3A_437 : vector<64x2048xf32>
    %jit3A_439 = arith.constant 3.000000e+38 : f32
    %broadcast_in_dim3A_440 = vector.broadcast %jit3A_439 : f32 to vector<64x2048xf32>
    %select_n3A_441 = arith.select %eq3A_435, %broadcast_in_dim3A_440, %select_n3A_422 : vector<64x2048xi1>, vector<64x2048xf32>
    %reduce_min3A_442 = arith.constant dense<0x7F800000> : vector<64xf32>
    %reduce_min3A_443 = vector.multi_reduction <minimumf>, %select_n3A_441, %reduce_min3A_442 [1] : vector<64x2048xf32> to vector<64xf32>
    %broadcast_in_dim3A_444 = vector.shape_cast %reduce_min3A_443 : vector<64xf32> to vector<64x1xf32>
    %eq3A_445 = vector.broadcast %broadcast_in_dim3A_444 : vector<64x1xf32> to vector<64x2048xf32>
    %eq3A_446 = arith.cmpf oeq, %select_n3A_441, %eq3A_445 : vector<64x2048xf32>
    %jit3A_447 = arith.constant 1073741824 : i32
    %broadcast_in_dim3A_448 = vector.broadcast %jit3A_447 : i32 to vector<64x2048xi32>
    %select_n3A_449 = arith.select %eq3A_446, %iota3A_401, %broadcast_in_dim3A_448 : vector<64x2048xi1>, vector<64x2048xi32>
    %reduce_min3A_450 = arith.constant dense<2147483647> : vector<64xi32>
    %reduce_min3A_451 = vector.multi_reduction <minsi>, %select_n3A_449, %reduce_min3A_450 [1] : vector<64x2048xi32> to vector<64xi32>
    %broadcast_in_dim3A_452 = vector.shape_cast %reduce_min3A_451 : vector<64xi32> to vector<64x1xi32>
    %eq3A_453 = vector.broadcast %broadcast_in_dim3A_452 : vector<64x1xi32> to vector<64x2048xi32>
    %eq3A_454 = arith.cmpi eq, %iota3A_401, %eq3A_453 : vector<64x2048xi32>
    %convert_element_type3A_455 = arith.extui %eq3A_454 : vector<64x2048xi1> to vector<64x2048xi32>
    %convert_element_type3A_456 = arith.sitofp %convert_element_type3A_455 : vector<64x2048xi32> to vector<64x2048xf32>
    %add3A_457 = arith.addf %add3A_438, %convert_element_type3A_456 : vector<64x2048xf32>
    %jit3A_458 = arith.constant 3.000000e+38 : f32
    %broadcast_in_dim3A_459 = vector.broadcast %jit3A_458 : f32 to vector<64x2048xf32>
    %select_n3A_460 = arith.select %eq3A_454, %broadcast_in_dim3A_459, %select_n3A_441 : vector<64x2048xi1>, vector<64x2048xf32>
    %reduce_min3A_461 = arith.constant dense<0x7F800000> : vector<64xf32>
    %reduce_min3A_462 = vector.multi_reduction <minimumf>, %select_n3A_460, %reduce_min3A_461 [1] : vector<64x2048xf32> to vector<64xf32>
    %broadcast_in_dim3A_463 = vector.shape_cast %reduce_min3A_462 : vector<64xf32> to vector<64x1xf32>
    %eq3A_464 = vector.broadcast %broadcast_in_dim3A_463 : vector<64x1xf32> to vector<64x2048xf32>
    %eq3A_465 = arith.cmpf oeq, %select_n3A_460, %eq3A_464 : vector<64x2048xf32>
    %jit3A_466 = arith.constant 1073741824 : i32
    %broadcast_in_dim3A_467 = vector.broadcast %jit3A_466 : i32 to vector<64x2048xi32>
    %select_n3A_468 = arith.select %eq3A_465, %iota3A_401, %broadcast_in_dim3A_467 : vector<64x2048xi1>, vector<64x2048xi32>
    %reduce_min3A_469 = arith.constant dense<2147483647> : vector<64xi32>
    %reduce_min3A_470 = vector.multi_reduction <minsi>, %select_n3A_468, %reduce_min3A_469 [1] : vector<64x2048xi32> to vector<64xi32>
    %broadcast_in_dim3A_471 = vector.shape_cast %reduce_min3A_470 : vector<64xi32> to vector<64x1xi32>
    %eq3A_472 = vector.broadcast %broadcast_in_dim3A_471 : vector<64x1xi32> to vector<64x2048xi32>
    %eq3A_473 = arith.cmpi eq, %iota3A_401, %eq3A_472 : vector<64x2048xi32>
    %convert_element_type3A_474 = arith.extui %eq3A_473 : vector<64x2048xi1> to vector<64x2048xi32>
    %convert_element_type3A_475 = arith.sitofp %convert_element_type3A_474 : vector<64x2048xi32> to vector<64x2048xf32>
    %add3A_476 = arith.addf %add3A_457, %convert_element_type3A_475 : vector<64x2048xf32>
    %jit3A_477 = arith.constant 3.000000e+38 : f32
    %broadcast_in_dim3A_478 = vector.broadcast %jit3A_477 : f32 to vector<64x2048xf32>
    %select_n3A_479 = arith.select %eq3A_473, %broadcast_in_dim3A_478, %select_n3A_460 : vector<64x2048xi1>, vector<64x2048xf32>
    %reduce_min3A_480 = arith.constant dense<0x7F800000> : vector<64xf32>
    %reduce_min3A_481 = vector.multi_reduction <minimumf>, %select_n3A_479, %reduce_min3A_480 [1] : vector<64x2048xf32> to vector<64xf32>
    %broadcast_in_dim3A_482 = vector.shape_cast %reduce_min3A_481 : vector<64xf32> to vector<64x1xf32>
    %eq3A_483 = vector.broadcast %broadcast_in_dim3A_482 : vector<64x1xf32> to vector<64x2048xf32>
    %eq3A_484 = arith.cmpf oeq, %select_n3A_479, %eq3A_483 : vector<64x2048xf32>
    %jit3A_485 = arith.constant 1073741824 : i32
    %broadcast_in_dim3A_486 = vector.broadcast %jit3A_485 : i32 to vector<64x2048xi32>
    %select_n3A_487 = arith.select %eq3A_484, %iota3A_401, %broadcast_in_dim3A_486 : vector<64x2048xi1>, vector<64x2048xi32>
    %reduce_min3A_488 = arith.constant dense<2147483647> : vector<64xi32>
    %reduce_min3A_489 = vector.multi_reduction <minsi>, %select_n3A_487, %reduce_min3A_488 [1] : vector<64x2048xi32> to vector<64xi32>
    %broadcast_in_dim3A_490 = vector.shape_cast %reduce_min3A_489 : vector<64xi32> to vector<64x1xi32>
    %eq3A_491 = vector.broadcast %broadcast_in_dim3A_490 : vector<64x1xi32> to vector<64x2048xi32>
    %eq3A_492 = arith.cmpi eq, %iota3A_401, %eq3A_491 : vector<64x2048xi32>
    %convert_element_type3A_493 = arith.extui %eq3A_492 : vector<64x2048xi1> to vector<64x2048xi32>
    %convert_element_type3A_494 = arith.sitofp %convert_element_type3A_493 : vector<64x2048xi32> to vector<64x2048xf32>
    %add3A_495 = arith.addf %add3A_476, %convert_element_type3A_494 : vector<64x2048xf32>
    %jit3A_496 = arith.constant 3.000000e+38 : f32
    %broadcast_in_dim3A_497 = vector.broadcast %jit3A_496 : f32 to vector<64x2048xf32>
    %select_n3A_498 = arith.select %eq3A_492, %broadcast_in_dim3A_497, %select_n3A_479 : vector<64x2048xi1>, vector<64x2048xf32>
    %reduce_min3A_499 = arith.constant dense<0x7F800000> : vector<64xf32>
    %reduce_min3A_500 = vector.multi_reduction <minimumf>, %select_n3A_498, %reduce_min3A_499 [1] : vector<64x2048xf32> to vector<64xf32>
    %broadcast_in_dim3A_501 = vector.shape_cast %reduce_min3A_500 : vector<64xf32> to vector<64x1xf32>
    %eq3A_502 = vector.broadcast %broadcast_in_dim3A_501 : vector<64x1xf32> to vector<64x2048xf32>
    %eq3A_503 = arith.cmpf oeq, %select_n3A_498, %eq3A_502 : vector<64x2048xf32>
    %jit3A_504 = arith.constant 1073741824 : i32
    %broadcast_in_dim3A_505 = vector.broadcast %jit3A_504 : i32 to vector<64x2048xi32>
    %select_n3A_506 = arith.select %eq3A_503, %iota3A_401, %broadcast_in_dim3A_505 : vector<64x2048xi1>, vector<64x2048xi32>
    %reduce_min3A_507 = arith.constant dense<2147483647> : vector<64xi32>
    %reduce_min3A_508 = vector.multi_reduction <minsi>, %select_n3A_506, %reduce_min3A_507 [1] : vector<64x2048xi32> to vector<64xi32>
    %broadcast_in_dim3A_509 = vector.shape_cast %reduce_min3A_508 : vector<64xi32> to vector<64x1xi32>
    %eq3A_510 = vector.broadcast %broadcast_in_dim3A_509 : vector<64x1xi32> to vector<64x2048xi32>
    %eq3A_511 = arith.cmpi eq, %iota3A_401, %eq3A_510 : vector<64x2048xi32>
    %convert_element_type3A_512 = arith.extui %eq3A_511 : vector<64x2048xi1> to vector<64x2048xi32>
    %convert_element_type3A_513 = arith.sitofp %convert_element_type3A_512 : vector<64x2048xi32> to vector<64x2048xf32>
    %add3A_514 = arith.addf %add3A_495, %convert_element_type3A_513 : vector<64x2048xf32>
    %jit3A_515 = arith.constant 3.000000e+38 : f32
    %broadcast_in_dim3A_516 = vector.broadcast %jit3A_515 : f32 to vector<64x2048xf32>
    %select_n3A_517 = arith.select %eq3A_511, %broadcast_in_dim3A_516, %select_n3A_498 : vector<64x2048xi1>, vector<64x2048xf32>
    %reduce_min3A_518 = arith.constant dense<0x7F800000> : vector<64xf32>
    %reduce_min3A_519 = vector.multi_reduction <minimumf>, %select_n3A_517, %reduce_min3A_518 [1] : vector<64x2048xf32> to vector<64xf32>
    %broadcast_in_dim3A_520 = vector.shape_cast %reduce_min3A_519 : vector<64xf32> to vector<64x1xf32>
    %eq3A_521 = vector.broadcast %broadcast_in_dim3A_520 : vector<64x1xf32> to vector<64x2048xf32>
    %eq3A_522 = arith.cmpf oeq, %select_n3A_517, %eq3A_521 : vector<64x2048xf32>
    %jit3A_523 = arith.constant 1073741824 : i32
    %broadcast_in_dim3A_524 = vector.broadcast %jit3A_523 : i32 to vector<64x2048xi32>
    %select_n3A_525 = arith.select %eq3A_522, %iota3A_401, %broadcast_in_dim3A_524 : vector<64x2048xi1>, vector<64x2048xi32>
    %reduce_min3A_526 = arith.constant dense<2147483647> : vector<64xi32>
    %reduce_min3A_527 = vector.multi_reduction <minsi>, %select_n3A_525, %reduce_min3A_526 [1] : vector<64x2048xi32> to vector<64xi32>
    %broadcast_in_dim3A_528 = vector.shape_cast %reduce_min3A_527 : vector<64xi32> to vector<64x1xi32>
    %eq3A_529 = vector.broadcast %broadcast_in_dim3A_528 : vector<64x1xi32> to vector<64x2048xi32>
    %eq3A_530 = arith.cmpi eq, %iota3A_401, %eq3A_529 : vector<64x2048xi32>
    %convert_element_type3A_531 = arith.extui %eq3A_530 : vector<64x2048xi1> to vector<64x2048xi32>
    %convert_element_type3A_532 = arith.sitofp %convert_element_type3A_531 : vector<64x2048xi32> to vector<64x2048xf32>
    %add3A_533 = arith.addf %add3A_514, %convert_element_type3A_532 : vector<64x2048xf32>
    %jit3A_534 = arith.constant 3.000000e+38 : f32
    %broadcast_in_dim3A_535 = vector.broadcast %jit3A_534 : f32 to vector<64x2048xf32>
    %select_n3A_536 = arith.select %eq3A_530, %broadcast_in_dim3A_535, %select_n3A_517 : vector<64x2048xi1>, vector<64x2048xf32>
    %reduce_min3A_537 = arith.constant dense<0x7F800000> : vector<64xf32>
    %reduce_min3A_538 = vector.multi_reduction <minimumf>, %select_n3A_536, %reduce_min3A_537 [1] : vector<64x2048xf32> to vector<64xf32>
    %broadcast_in_dim3A_539 = vector.shape_cast %reduce_min3A_538 : vector<64xf32> to vector<64x1xf32>
    %eq3A_540 = vector.broadcast %broadcast_in_dim3A_539 : vector<64x1xf32> to vector<64x2048xf32>
    %eq3A_541 = arith.cmpf oeq, %select_n3A_536, %eq3A_540 : vector<64x2048xf32>
    %jit3A_542 = arith.constant 1073741824 : i32
    %broadcast_in_dim3A_543 = vector.broadcast %jit3A_542 : i32 to vector<64x2048xi32>
    %select_n3A_544 = arith.select %eq3A_541, %iota3A_401, %broadcast_in_dim3A_543 : vector<64x2048xi1>, vector<64x2048xi32>
    %reduce_min3A_545 = arith.constant dense<2147483647> : vector<64xi32>
    %reduce_min3A_546 = vector.multi_reduction <minsi>, %select_n3A_544, %reduce_min3A_545 [1] : vector<64x2048xi32> to vector<64xi32>
    %broadcast_in_dim3A_547 = vector.shape_cast %reduce_min3A_546 : vector<64xi32> to vector<64x1xi32>
    %eq3A_548 = vector.broadcast %broadcast_in_dim3A_547 : vector<64x1xi32> to vector<64x2048xi32>
    %eq3A_549 = arith.cmpi eq, %iota3A_401, %eq3A_548 : vector<64x2048xi32>
    %convert_element_type3A_550 = arith.extui %eq3A_549 : vector<64x2048xi1> to vector<64x2048xi32>
    %convert_element_type3A_551 = arith.sitofp %convert_element_type3A_550 : vector<64x2048xi32> to vector<64x2048xf32>
    %add3A_552 = arith.addf %add3A_533, %convert_element_type3A_551 : vector<64x2048xf32>
    %jit3A_553 = arith.constant 3.000000e+38 : f32
    %broadcast_in_dim3A_554 = vector.broadcast %jit3A_553 : f32 to vector<64x2048xf32>
    %select_n3A_555 = arith.select %eq3A_549, %broadcast_in_dim3A_554, %select_n3A_536 : vector<64x2048xi1>, vector<64x2048xf32>
    %reduce_min3A_556 = arith.constant dense<0x7F800000> : vector<64xf32>
    %reduce_min3A_557 = vector.multi_reduction <minimumf>, %select_n3A_555, %reduce_min3A_556 [1] : vector<64x2048xf32> to vector<64xf32>
    %broadcast_in_dim3A_558 = vector.shape_cast %reduce_min3A_557 : vector<64xf32> to vector<64x1xf32>
    %eq3A_559 = vector.broadcast %broadcast_in_dim3A_558 : vector<64x1xf32> to vector<64x2048xf32>
    %eq3A_560 = arith.cmpf oeq, %select_n3A_555, %eq3A_559 : vector<64x2048xf32>
    %jit3A_561 = arith.constant 1073741824 : i32
    %broadcast_in_dim3A_562 = vector.broadcast %jit3A_561 : i32 to vector<64x2048xi32>
    %select_n3A_563 = arith.select %eq3A_560, %iota3A_401, %broadcast_in_dim3A_562 : vector<64x2048xi1>, vector<64x2048xi32>
    %reduce_min3A_564 = arith.constant dense<2147483647> : vector<64xi32>
    %reduce_min3A_565 = vector.multi_reduction <minsi>, %select_n3A_563, %reduce_min3A_564 [1] : vector<64x2048xi32> to vector<64xi32>
    %broadcast_in_dim3A_566 = vector.shape_cast %reduce_min3A_565 : vector<64xi32> to vector<64x1xi32>
    %eq3A_567 = vector.broadcast %broadcast_in_dim3A_566 : vector<64x1xi32> to vector<64x2048xi32>
    %eq3A_568 = arith.cmpi eq, %iota3A_401, %eq3A_567 : vector<64x2048xi32>
    %convert_element_type3A_569 = arith.extui %eq3A_568 : vector<64x2048xi1> to vector<64x2048xi32>
    %convert_element_type3A_570 = arith.sitofp %convert_element_type3A_569 : vector<64x2048xi32> to vector<64x2048xf32>
    %add3A_571 = arith.addf %add3A_552, %convert_element_type3A_570 : vector<64x2048xf32>
    %add3A_572 = arith.addf %add3A_395, %add3A_571 : vector<64x2048xf32>
    %concatenate3A = tpu.concatenate %add3A_216, %add3A_572 in 1 : vector<64x6400xf32>, vector<64x2048xf32> -> vector<64x8448xf32>
    %min3A = vector.broadcast %slice3A_12 : vector<64x1xf32> to vector<64x8448xf32>
    %min3A_573 = vector.broadcast %slice3A_3 : vector<1x8448xf32> to vector<64x8448xf32>
    %min3A_574 = arith.minimumf %min3A, %min3A_573 : vector<64x8448xf32>
    %max3A = vector.broadcast %slice3A_10 : vector<64x1xf32> to vector<64x8448xf32>
    %max3A_575 = vector.broadcast %slice3A : vector<1x8448xf32> to vector<64x8448xf32>
    %max3A_576 = arith.maximumf %max3A, %max3A_575 : vector<64x8448xf32>
    %sub3A_577 = arith.subf %min3A_574, %max3A_576 : vector<64x8448xf32>
    %max3A_578 = arith.constant 0.000000e+00 : f32
    %max3A_579 = vector.broadcast %max3A_578 : f32 to vector<64x8448xf32>
    %max3A_580 = arith.maximumf %sub3A_577, %max3A_579 : vector<64x8448xf32>
    %min3A_581 = vector.broadcast %slice3A_13 : vector<64x1xf32> to vector<64x8448xf32>
    %min3A_582 = vector.broadcast %slice3A_4 : vector<1x8448xf32> to vector<64x8448xf32>
    %min3A_583 = arith.minimumf %min3A_581, %min3A_582 : vector<64x8448xf32>
    %max3A_584 = vector.broadcast %slice3A_11 : vector<64x1xf32> to vector<64x8448xf32>
    %max3A_585 = vector.broadcast %slice3A_2 : vector<1x8448xf32> to vector<64x8448xf32>
    %max3A_586 = arith.maximumf %max3A_584, %max3A_585 : vector<64x8448xf32>
    %sub3A_587 = arith.subf %min3A_583, %max3A_586 : vector<64x8448xf32>
    %max3A_588 = arith.constant 0.000000e+00 : f32
    %max3A_589 = vector.broadcast %max3A_588 : f32 to vector<64x8448xf32>
    %max3A_590 = arith.maximumf %sub3A_587, %max3A_589 : vector<64x8448xf32>
    %mul3A_591 = arith.mulf %max3A_580, %max3A_590 : vector<64x8448xf32>
    %add3A_592 = vector.broadcast %mul3A_34 : vector<64x1xf32> to vector<64x8448xf32>
    %add3A_593 = vector.broadcast %mul3A_23 : vector<1x8448xf32> to vector<64x8448xf32>
    %add3A_594 = arith.addf %add3A_592, %add3A_593 : vector<64x8448xf32>
    %sub3A_595 = arith.subf %add3A_594, %mul3A_591 : vector<64x8448xf32>
    %add3A_596 = arith.constant 9.99999971E-10 : f32
    %add3A_597 = vector.broadcast %add3A_596 : f32 to vector<64x8448xf32>
    %add3A_598 = arith.addf %sub3A_595, %add3A_597 : vector<64x8448xf32>
    %div3A = arith.divf %mul3A_591, %add3A_598 : vector<64x8448xf32>
    %mul3A_599 = vector.broadcast %slice3A_15 : vector<64x1xf32> to vector<64x8448xf32>
    %mul3A_600 = arith.mulf %concatenate3A, %mul3A_599 : vector<64x8448xf32>
    %mul3A_601 = arith.mulf %div3A, %mul3A_600 : vector<64x8448xf32>
    %reduce_sum3A = arith.constant dense<0.000000e+00> : vector<64xf32>
    %reduce_sum3A_602 = vector.multi_reduction <add>, %mul3A_601, %reduce_sum3A [1] : vector<64x8448xf32> to vector<64xf32>
    %broadcast_in_dim3A_603 = vector.shape_cast %reduce_sum3A_602 : vector<64xf32> to vector<64x1xf32>
    %mul3A_604 = arith.constant 0.0370370373 : f32
    %mul3A_605 = vector.broadcast %mul3A_604 : f32 to vector<64x1xf32>
    %mul3A_606 = arith.mulf %broadcast_in_dim3A_603, %mul3A_605 : vector<64x1xf32>
    %sub3A_607 = vector.broadcast %mul3A_606 : vector<64x1xf32> to vector<64x8448xf32>
    %sub3A_608 = arith.subf %mul3A_601, %sub3A_607 : vector<64x8448xf32>
    %mul3A_609 = arith.mulf %concatenate3A, %sub3A_608 : vector<64x8448xf32>
    %mul3A_610 = arith.mulf %mul3A_609, %sub3A_608 : vector<64x8448xf32>
    %reduce_sum3A_611 = arith.constant dense<0.000000e+00> : vector<64xf32>
    %reduce_sum3A_612 = vector.multi_reduction <add>, %mul3A_610, %reduce_sum3A_611 [1] : vector<64x8448xf32> to vector<64xf32>
    %broadcast_in_dim3A_613 = vector.shape_cast %reduce_sum3A_612 : vector<64xf32> to vector<64x1xf32>
    %mul3A_614 = arith.constant 0.0384615399 : f32
    %mul3A_615 = vector.broadcast %mul3A_614 : f32 to vector<64x1xf32>
    %mul3A_616 = arith.mulf %broadcast_in_dim3A_613, %mul3A_615 : vector<64x1xf32>
    %max3A_617 = arith.constant 0.000000e+00 : f32
    %max3A_618 = vector.broadcast %max3A_617 : f32 to vector<64x1xf32>
    %max3A_619 = arith.maximumf %mul3A_616, %max3A_618 : vector<64x1xf32>
    %sqrt3A_620 = math.sqrt %max3A_619 : vector<64x1xf32>
    %add3A_621 = arith.addf %mul3A_606, %sqrt3A_620 : vector<64x1xf32>
    %gt3A = vector.broadcast %add3A_621 : vector<64x1xf32> to vector<64x8448xf32>
    %gt3A_622 = arith.cmpf ogt, %mul3A_601, %gt3A : vector<64x8448xf32>
    %broadcast_in_dim3A_623 = arith.constant 0.000000e+00 : f32
    %broadcast_in_dim3A_624 = vector.broadcast %broadcast_in_dim3A_623 : f32 to vector<64x8448xf32>
    %select_n3A_625 = arith.select %gt3A_622, %mul3A_600, %broadcast_in_dim3A_624 : vector<64x8448xi1>, vector<64x8448xf32>
    %sub3A_626 = vector.broadcast %mul3A_17 : vector<1x8448xf32> to vector<64x8448xf32>
    %sub3A_627 = vector.broadcast %slice3A_10 : vector<64x1xf32> to vector<64x8448xf32>
    %sub3A_628 = arith.subf %sub3A_626, %sub3A_627 : vector<64x8448xf32>
    %sub3A_629 = vector.broadcast %mul3A_21 : vector<1x8448xf32> to vector<64x8448xf32>
    %sub3A_630 = vector.broadcast %slice3A_11 : vector<64x1xf32> to vector<64x8448xf32>
    %sub3A_631 = arith.subf %sub3A_629, %sub3A_630 : vector<64x8448xf32>
    %min3A_632 = arith.minimumf %sub3A_628, %sub3A_631 : vector<64x8448xf32>
    %sub3A_633 = vector.broadcast %slice3A_12 : vector<64x1xf32> to vector<64x8448xf32>
    %sub3A_634 = vector.broadcast %mul3A_17 : vector<1x8448xf32> to vector<64x8448xf32>
    %sub3A_635 = arith.subf %sub3A_633, %sub3A_634 : vector<64x8448xf32>
    %sub3A_636 = vector.broadcast %slice3A_13 : vector<64x1xf32> to vector<64x8448xf32>
    %sub3A_637 = vector.broadcast %mul3A_21 : vector<1x8448xf32> to vector<64x8448xf32>
    %sub3A_638 = arith.subf %sub3A_636, %sub3A_637 : vector<64x8448xf32>
    %min3A_639 = arith.minimumf %sub3A_635, %sub3A_638 : vector<64x8448xf32>
    %min3A_640 = arith.minimumf %min3A_632, %min3A_639 : vector<64x8448xf32>
    %gt3A_641 = arith.constant 9.99999971E-10 : f32
    %gt3A_642 = vector.broadcast %gt3A_641 : f32 to vector<64x8448xf32>
    %gt3A_643 = arith.cmpf ogt, %min3A_640, %gt3A_642 : vector<64x8448xf32>
    %convert_element_type3A_644 = arith.extui %gt3A_643 : vector<64x8448xi1> to vector<64x8448xi32>
    %convert_element_type3A_645 = arith.sitofp %convert_element_type3A_644 : vector<64x8448xi32> to vector<64x8448xf32>
    %mul3A_646 = arith.mulf %select_n3A_625, %convert_element_type3A_645 : vector<64x8448xf32>
    %mul3A_647 = vector.broadcast %slice3A_15 : vector<64x1xf32> to vector<64x8448xf32>
    %mul3A_648 = arith.mulf %mul3A_646, %mul3A_647 : vector<64x8448xf32>
    %reduce_sum3A_649 = arith.constant dense<0.000000e+00> : vector<8448xf32>
    %reduce_sum3A_650 = vector.multi_reduction <add>, %mul3A_648, %reduce_sum3A_649 [0] : vector<64x8448xf32> to vector<8448xf32>
    %broadcast_in_dim3A_651 = vector.shape_cast %reduce_sum3A_650 : vector<8448xf32> to vector<1x8448xf32>
    %gt3A_652 = arith.constant 1.000000e+00 : f32
    %gt3A_653 = vector.broadcast %gt3A_652 : f32 to vector<1x8448xf32>
    %gt3A_654 = arith.cmpf ogt, %broadcast_in_dim3A_651, %gt3A_653 : vector<1x8448xf32>
    %iota3A_655 = tpu.iota {dimensions = array<i32: 0>} : vector<64x8448xi32>
    %reduce_max3A = arith.constant dense<0xFF800000> : vector<8448xf32>
    %reduce_max3A_656 = vector.multi_reduction <maximumf>, %div3A, %reduce_max3A [0] : vector<64x8448xf32> to vector<8448xf32>
    %broadcast_in_dim3A_657 = vector.shape_cast %reduce_max3A_656 : vector<8448xf32> to vector<1x8448xf32>
    %eq3A_658 = vector.broadcast %broadcast_in_dim3A_657 : vector<1x8448xf32> to vector<64x8448xf32>
    %eq3A_659 = arith.cmpf oeq, %div3A, %eq3A_658 : vector<64x8448xf32>
    %jit3A_660 = arith.constant 1073741824 : i32
    %broadcast_in_dim3A_661 = vector.broadcast %jit3A_660 : i32 to vector<64x8448xi32>
    %select_n3A_662 = arith.select %eq3A_659, %iota3A_655, %broadcast_in_dim3A_661 : vector<64x8448xi1>, vector<64x8448xi32>
    %reduce_min3A_663 = arith.constant dense<2147483647> : vector<8448xi32>
    %reduce_min3A_664 = vector.multi_reduction <minsi>, %select_n3A_662, %reduce_min3A_663 [0] : vector<64x8448xi32> to vector<8448xi32>
    %broadcast_in_dim3A_665 = vector.shape_cast %reduce_min3A_664 : vector<8448xi32> to vector<1x8448xi32>
    %eq3A_666 = vector.broadcast %broadcast_in_dim3A_665 : vector<1x8448xi32> to vector<64x8448xi32>
    %eq3A_667 = arith.cmpi eq, %iota3A_655, %eq3A_666 : vector<64x8448xi32>
    %convert_element_type3A_668 = arith.extui %eq3A_667 : vector<64x8448xi1> to vector<64x8448xi32>
    %convert_element_type3A_669 = arith.sitofp %convert_element_type3A_668 : vector<64x8448xi32> to vector<64x8448xf32>
    %broadcast_in_dim3A_670 = vector.shape_cast %gt3A_654 : vector<1x8448xi1> to vector<1x8448xi1>
    %broadcast_in_dim3A_671 = vector.broadcast %broadcast_in_dim3A_670 : vector<1x8448xi1> to vector<64x8448xi1>
    %select_n3A_672 = arith.select %broadcast_in_dim3A_671, %convert_element_type3A_669, %mul3A_648 : vector<64x8448xi1>, vector<64x8448xf32>
    %reduce_sum3A_673 = arith.constant dense<0.000000e+00> : vector<8448xf32>
    %reduce_sum3A_674 = vector.multi_reduction <add>, %select_n3A_672, %reduce_sum3A_673 [0] : vector<64x8448xf32> to vector<8448xf32>
    %broadcast_in_dim3A_675 = vector.shape_cast %reduce_sum3A_674 : vector<8448xf32> to vector<1x8448xf32>
    %gt3A_676 = arith.constant 0.000000e+00 : f32
    %gt3A_677 = vector.broadcast %gt3A_676 : f32 to vector<1x8448xf32>
    %gt3A_678 = arith.cmpf ogt, %broadcast_in_dim3A_675, %gt3A_677 : vector<1x8448xf32>
    %gt3A_679 = arith.constant 0.000000e+00 : f32
    %gt3A_680 = vector.broadcast %gt3A_679 : f32 to vector<64x8448xf32>
    %gt3A_681 = arith.cmpf ogt, %select_n3A_672, %gt3A_680 : vector<64x8448xf32>
    %jit3A_682 = arith.constant 1073741824 : i32
    %broadcast_in_dim3A_683 = vector.broadcast %jit3A_682 : i32 to vector<64x8448xi32>
    %select_n3A_684 = arith.select %gt3A_681, %iota3A_655, %broadcast_in_dim3A_683 : vector<64x8448xi1>, vector<64x8448xi32>
    %reduce_min3A_685 = arith.constant dense<2147483647> : vector<8448xi32>
    %reduce_min3A_686 = vector.multi_reduction <minsi>, %select_n3A_684, %reduce_min3A_685 [0] : vector<64x8448xi32> to vector<8448xi32>
    %broadcast_in_dim3A_687 = vector.shape_cast %reduce_min3A_686 : vector<8448xi32> to vector<1x8448xi32>
    %broadcast_in_dim3A_688 = arith.constant 0 : i32
    %broadcast_in_dim3A_689 = vector.broadcast %broadcast_in_dim3A_688 : i32 to vector<1x8448xi32>
    %select_n3A_690 = arith.select %gt3A_678, %broadcast_in_dim3A_687, %broadcast_in_dim3A_689 : vector<1x8448xi1>, vector<1x8448xi32>
    %eq3A_691 = vector.broadcast %select_n3A_690 : vector<1x8448xi32> to vector<64x8448xi32>
    %eq3A_692 = arith.cmpi eq, %iota3A_655, %eq3A_691 : vector<64x8448xi32>
    %convert_element_type3A_693 = arith.extui %eq3A_692 : vector<64x8448xi1> to vector<64x8448xi32>
    %convert_element_type3A_694 = arith.sitofp %convert_element_type3A_693 : vector<64x8448xi32> to vector<64x8448xf32>
    %mul3A_695 = vector.broadcast %slice3A_14 : vector<64x1xf32> to vector<64x8448xf32>
    %mul3A_696 = arith.mulf %convert_element_type3A_694, %mul3A_695 : vector<64x8448xf32>
    %reduce_sum3A_697 = arith.constant dense<0.000000e+00> : vector<8448xf32>
    %reduce_sum3A_698 = vector.multi_reduction <add>, %mul3A_696, %reduce_sum3A_697 [0] : vector<64x8448xf32> to vector<8448xf32>
    %broadcast_in_dim3A_699 = vector.shape_cast %reduce_sum3A_698 : vector<8448xf32> to vector<1x8448xf32>
    %convert_element_type3A_700 = arith.fptosi %broadcast_in_dim3A_699 : vector<1x8448xf32> to vector<1x8448xi32>
    %broadcast_in_dim3A_701 = arith.constant -1 : i32
    %broadcast_in_dim3A_702 = vector.broadcast %broadcast_in_dim3A_701 : i32 to vector<1x8448xi32>
    %select_n3A_703 = arith.select %gt3A_678, %convert_element_type3A_700, %broadcast_in_dim3A_702 : vector<1x8448xi1>, vector<1x8448xi32>
    %swap3A = arith.constant 0 : index
    %swap3A_704 = arith.constant 0 : index
    %swap3A_705 = arith.constant 0 : index
    %swap3A_706 = vector.load %arg4[%swap3A, %swap3A_704, %swap3A_705] : memref<1x1x8448xi32, #tpu.memory_space<vmem>>, vector<1x1x8448xi32>
    %swap3A_707 = vector.shape_cast %swap3A_706 : vector<1x1x8448xi32> to vector<1x8448xi32>
    %swap3A_708 = vector.shape_cast %select_n3A_703 : vector<1x8448xi32> to vector<1x1x8448xi32>
    tpu.vector_store %arg4[%swap3A, %swap3A_704, %swap3A_705], %swap3A_708 {strides = array<i32>} : memref<1x1x8448xi32, #tpu.memory_space<vmem>>, vector<1x1x8448xi32>,
    %transpose3A = tpu.transpose %select_n3A_703, [1, 0] : vector<1x8448xi32> -> vector<8448x1xi32>
    %transpose3A_709 = tpu.transpose %select_n3A_690, [1, 0] : vector<1x8448xi32> -> vector<8448x1xi32>
    %get3A_710 = arith.constant 0 : index
    %get3A_711 = arith.constant 0 : index
    %get3A_712 = arith.constant 0 : index
    %get3A_713 = vector.load %arg3[%get3A_710, %get3A_711, %get3A_712] : memref<1x8x64xf32, #tpu.memory_space<vmem>>, vector<1x8x64xf32>
    %get3A_714 = vector.shape_cast %get3A_713 : vector<1x8x64xf32> to vector<8x64xf32>
    %iota3A_715 = tpu.iota {dimensions = array<i32: 1>} : vector<8448x64xi32>
    %eq3A_716 = vector.broadcast %transpose3A_709 : vector<8448x1xi32> to vector<8448x64xi32>
    %eq3A_717 = arith.cmpi eq, %iota3A_715, %eq3A_716 : vector<8448x64xi32>
    %convert_element_type3A_718 = arith.extui %eq3A_717 : vector<8448x64xi1> to vector<8448x64xi32>
    %convert_element_type3A_719 = arith.sitofp %convert_element_type3A_718 : vector<8448x64xi32> to vector<8448x64xf32>
    %slice3A_720 = vector.extract_strided_slice %get3A_714 {offsets = [0, 0], sizes = [1, 64], strides = [1, 1]} : vector<8x64xf32> to vector<1x64xf32>
    %mul3A_721 = vector.broadcast %slice3A_720 : vector<1x64xf32> to vector<8448x64xf32>
    %mul3A_722 = arith.mulf %convert_element_type3A_719, %mul3A_721 : vector<8448x64xf32>
    %reduce_sum3A_723 = arith.constant dense<0.000000e+00> : vector<8448xf32>
    %reduce_sum3A_724 = vector.multi_reduction <add>, %mul3A_722, %reduce_sum3A_723 [1] : vector<8448x64xf32> to vector<8448xf32>
    %broadcast_in_dim3A_725 = vector.shape_cast %reduce_sum3A_724 : vector<8448xf32> to vector<8448x1xf32>
    %swap3A_726 = arith.constant 0 : index
    %swap3A_727 = arith.constant 0 : index
    %swap3A_728 = arith.constant 0 : index
    %swap3A_729 = vector.load %arg5[%swap3A_726, %swap3A_727, %swap3A_728] : memref<1x8448x4xf32, #tpu.memory_space<vmem>>, vector<1x8448x1xf32>
    %swap3A_730 = vector.shape_cast %swap3A_729 : vector<1x8448x1xf32> to vector<8448x1xf32>
    %swap3A_731 = vector.shape_cast %broadcast_in_dim3A_725 : vector<8448x1xf32> to vector<1x8448x1xf32>
    tpu.vector_store %arg5[%swap3A_726, %swap3A_727, %swap3A_728], %swap3A_731 {strides = array<i32>} : memref<1x8448x4xf32, #tpu.memory_space<vmem>>, vector<1x8448x1xf32>,
    %slice3A_732 = vector.extract_strided_slice %get3A_714 {offsets = [1, 0], sizes = [1, 64], strides = [1, 1]} : vector<8x64xf32> to vector<1x64xf32>
    %mul3A_733 = vector.broadcast %slice3A_732 : vector<1x64xf32> to vector<8448x64xf32>
    %mul3A_734 = arith.mulf %convert_element_type3A_719, %mul3A_733 : vector<8448x64xf32>
    %reduce_sum3A_735 = arith.constant dense<0.000000e+00> : vector<8448xf32>
    %reduce_sum3A_736 = vector.multi_reduction <add>, %mul3A_734, %reduce_sum3A_735 [1] : vector<8448x64xf32> to vector<8448xf32>
    %broadcast_in_dim3A_737 = vector.shape_cast %reduce_sum3A_736 : vector<8448xf32> to vector<8448x1xf32>
    %swap3A_738 = arith.constant 0 : index
    %swap3A_739 = arith.constant 0 : index
    %swap3A_740 = arith.constant 1 : index
    %swap3A_741 = vector.load %arg5[%swap3A_738, %swap3A_739, %swap3A_740] : memref<1x8448x4xf32, #tpu.memory_space<vmem>>, vector<1x8448x1xf32>
    %swap3A_742 = vector.shape_cast %swap3A_741 : vector<1x8448x1xf32> to vector<8448x1xf32>
    %swap3A_743 = vector.shape_cast %broadcast_in_dim3A_737 : vector<8448x1xf32> to vector<1x8448x1xf32>
    tpu.vector_store %arg5[%swap3A_738, %swap3A_739, %swap3A_740], %swap3A_743 {strides = array<i32>} : memref<1x8448x4xf32, #tpu.memory_space<vmem>>, vector<1x8448x1xf32>,
    %slice3A_744 = vector.extract_strided_slice %get3A_714 {offsets = [2, 0], sizes = [1, 64], strides = [1, 1]} : vector<8x64xf32> to vector<1x64xf32>
    %mul3A_745 = vector.broadcast %slice3A_744 : vector<1x64xf32> to vector<8448x64xf32>
    %mul3A_746 = arith.mulf %convert_element_type3A_719, %mul3A_745 : vector<8448x64xf32>
    %reduce_sum3A_747 = arith.constant dense<0.000000e+00> : vector<8448xf32>
    %reduce_sum3A_748 = vector.multi_reduction <add>, %mul3A_746, %reduce_sum3A_747 [1] : vector<8448x64xf32> to vector<8448xf32>
    %broadcast_in_dim3A_749 = vector.shape_cast %reduce_sum3A_748 : vector<8448xf32> to vector<8448x1xf32>
    %swap3A_750 = arith.constant 0 : index
    %swap3A_751 = arith.constant 0 : index
    %swap3A_752 = arith.constant 2 : index
    %swap3A_753 = vector.load %arg5[%swap3A_750, %swap3A_751, %swap3A_752] : memref<1x8448x4xf32, #tpu.memory_space<vmem>>, vector<1x8448x1xf32>
    %swap3A_754 = vector.shape_cast %swap3A_753 : vector<1x8448x1xf32> to vector<8448x1xf32>
    %swap3A_755 = vector.shape_cast %broadcast_in_dim3A_749 : vector<8448x1xf32> to vector<1x8448x1xf32>
    tpu.vector_store %arg5[%swap3A_750, %swap3A_751, %swap3A_752], %swap3A_755 {strides = array<i32>} : memref<1x8448x4xf32, #tpu.memory_space<vmem>>, vector<1x8448x1xf32>,
    %slice3A_756 = vector.extract_strided_slice %get3A_714 {offsets = [3, 0], sizes = [1, 64], strides = [1, 1]} : vector<8x64xf32> to vector<1x64xf32>
    %mul3A_757 = vector.broadcast %slice3A_756 : vector<1x64xf32> to vector<8448x64xf32>
    %mul3A_758 = arith.mulf %convert_element_type3A_719, %mul3A_757 : vector<8448x64xf32>
    %reduce_sum3A_759 = arith.constant dense<0.000000e+00> : vector<8448xf32>
    %reduce_sum3A_760 = vector.multi_reduction <add>, %mul3A_758, %reduce_sum3A_759 [1] : vector<8448x64xf32> to vector<8448xf32>
    %broadcast_in_dim3A_761 = vector.shape_cast %reduce_sum3A_760 : vector<8448xf32> to vector<8448x1xf32>
    %swap3A_762 = arith.constant 0 : index
    %swap3A_763 = arith.constant 0 : index
    %swap3A_764 = arith.constant 3 : index
    %swap3A_765 = vector.load %arg5[%swap3A_762, %swap3A_763, %swap3A_764] : memref<1x8448x4xf32, #tpu.memory_space<vmem>>, vector<1x8448x1xf32>
    %swap3A_766 = vector.shape_cast %swap3A_765 : vector<1x8448x1xf32> to vector<8448x1xf32>
    %swap3A_767 = vector.shape_cast %broadcast_in_dim3A_761 : vector<8448x1xf32> to vector<1x8448x1xf32>
    tpu.vector_store %arg5[%swap3A_762, %swap3A_763, %swap3A_764], %swap3A_767 {strides = array<i32>} : memref<1x8448x4xf32, #tpu.memory_space<vmem>>, vector<1x8448x1xf32>,
    %iota3A_768 = tpu.iota {dimensions = array<i32: 1>} : vector<8448x80xi32>
    %eq3A_769 = vector.broadcast %transpose3A : vector<8448x1xi32> to vector<8448x80xi32>
    %eq3A_770 = arith.cmpi eq, %eq3A_769, %iota3A_768 : vector<8448x80xi32>
    %jit3A_771 = arith.constant 1.000000e+00 : f32
    %jit3A_772 = arith.constant 0.000000e+00 : f32
    %broadcast_in_dim3A_773 = vector.broadcast %jit3A_771 : f32 to vector<8448x80xf32>
    %broadcast_in_dim3A_774 = vector.broadcast %jit3A_772 : f32 to vector<8448x80xf32>
    %select_n3A_775 = arith.select %eq3A_770, %broadcast_in_dim3A_773, %broadcast_in_dim3A_774 : vector<8448x80xi1>, vector<8448x80xf32>
    %swap3A_776 = arith.constant 0 : index
    %swap3A_777 = arith.constant 0 : index
    %swap3A_778 = arith.constant 0 : index
    %swap3A_779 = vector.load %arg6[%swap3A_776, %swap3A_777, %swap3A_778] : memref<1x8448x80xf32, #tpu.memory_space<vmem>>, vector<1x8448x80xf32>
    %swap3A_780 = vector.shape_cast %swap3A_779 : vector<1x8448x80xf32> to vector<8448x80xf32>
    %swap3A_781 = vector.shape_cast %select_n3A_775 : vector<8448x80xf32> to vector<1x8448x80xf32>
    tpu.vector_store %arg6[%swap3A_776, %swap3A_777, %swap3A_778], %swap3A_781 {strides = array<i32>} : memref<1x8448x80xf32, #tpu.memory_space<vmem>>, vector<1x8448x80xf32>,
    return
  }
  func.func @transform_0(%arg0: i32) -> (i32, i32) {
    %c0_i32 = arith.constant 0 : i32
    %c0_i32_0 = arith.constant 0 : i32
    %c0_i32_1 = arith.constant 0 : i32
    return %c0_i32, %c0_i32_0 : i32, i32
  }
  func.func @transform_1(%arg0: i32) -> (i32, i32, i32) {
    %c0_i32 = arith.constant 0 : i32
    %c0_i32_0 = arith.constant 0 : i32
    %c0_i32_1 = arith.constant 0 : i32
    return %arg0, %c0_i32, %c0_i32_0 : i32, i32, i32
  }
  func.func @transform_2(%arg0: i32) -> (i32, i32, i32) {
    %c0_i32 = arith.constant 0 : i32
    %c0_i32_0 = arith.constant 0 : i32
    %c0_i32_1 = arith.constant 0 : i32
    return %arg0, %c0_i32, %c0_i32_0 : i32, i32, i32
  }
  func.func @transform_3(%arg0: i32) -> (i32, i32, i32) {
    %c0_i32 = arith.constant 0 : i32
    %c0_i32_0 = arith.constant 0 : i32
    %c0_i32_1 = arith.constant 0 : i32
    return %arg0, %c0_i32, %c0_i32_0 : i32, i32, i32
  }
  func.func @transform_4(%arg0: i32) -> (i32, i32, i32) {
    %c0_i32 = arith.constant 0 : i32
    %c0_i32_0 = arith.constant 0 : i32
    %c0_i32_1 = arith.constant 0 : i32
    return %arg0, %c0_i32, %c0_i32_0 : i32, i32, i32
  }
  func.func @transform_5(%arg0: i32) -> (i32, i32, i32) {
    %c0_i32 = arith.constant 0 : i32
    %c0_i32_0 = arith.constant 0 : i32
    %c0_i32_1 = arith.constant 0 : i32
    return %arg0, %c0_i32, %c0_i32_0 : i32, i32, i32
  }
}

</mosaic_0001>

<sc_bundles>
// kernel: sparse-core-data-format-call.cloned.1.call-start
scs
called_computation_lowered:
.L_overlay_start_0:
0x0: {  	s2 =	sld [smem:$0x3FD9]  }
0x1: {  	s3 =	sld [smem:$0x3FFE];
	_ =	sdelay $0x1  }
0x2: {  	s1 =	srdreg.scid  }
0x3: {  	s0 =	sand.u32 $0x1, s1  }
0x4: {  	s15 =	sshll.u32 s0, $0xA;
	s2 =	sadd.s32 s3, s2  }
0x5: {  	s2 =	sadd.s32 s2, s15  }
0x6: {  	[smem:$0x3FC3] =	sst s2  }
0x7: {  	_ = 	snop  }
0x8: {  	s2 =	sld [smem:$0x3FD0];
	_ =	sdelay $0x2  }
0x9: {  	s16 =	simm.s32 $0xA;
	s4 =	simm.s32 $0x10  }
0xa: {  	[smem:s4], [sflag:s16] =	dma.local [hbm:s2], $0x1  }
0xb: {  	_ =	swait.eq [sflag:s16], $0x1  }
0xc: {  	[sflag:s16] =	ssyncset.done $0x0  }
0xd: {  	[sflag:s16] =	ssyncadd.s32 $0xFFFFFFFF  }
0xe: {  	s17 =	sld [smem:$0x12];
	(tm) =	ssettm $0x1  }
0xf: {  	s18 =	sld [smem:$0x3FFB];
	_ =	sdelay $0x3  }
0x10: {  	_ =	strace s18  }
0x11: {  	s3 =	sld [smem:$0x3FFC];
	_ =	sdelay $0x3  }
0x12: {  	_ =	strace s3  }
0x13: {  	s3 =	sld [smem:$0x3FFD];
	_ =	sdelay $0x3  }
0x14: {  	_ =	strace s3  }
0x15: {  	_ =	strace $0x8FFFFFFF  }
0x16: {  	s19 =	sld [smem:$0x3FDB];
	_ =	sdelay $0x1  }
0x17: {  	s20 =	simm.s32 $_scs_section_size  }
0x18: {  	s5 =	simm.s32 $_size__tile_overlayer_lowered;
	s6 =	simm.s32 $_tile_overlayer_lowered  }
0x19: {  	s23 =	simm.s32 $0x1BFF;
	s22 =	sshll.u32 s6, $0x1;
	s3 =	sadd.s32 s20, s19  }
0x1a: {  	s7 =	simm.s32 $0x0;
	s21 =	sshll.u32 s5, $0x1;
	s5 =	sadd.s32 s22, s3  }
0x1b: {  	[timem:s7], [sflag:s23] =	dma.local [hbm:s5], s21  }
0x1c: {  	_ =	swait.ge [sflag:s23], s21  }
0x1d: {  	s4 =	ssub.s32 $0x0, s21;
	[sflag:s23] =	ssyncset.done $0x0  }
0x1e: {  	[sflag:s23] =	ssyncadd.s32 s4;
	_ =	sdelay $0x1  }
0x1f: {  	s24 =	simm.s32 $0x1B8B  }
0x20: {  	_ =	swait.ge [sflag:s24], $0x1  }
0x21: {  	[sflag:s24] =	ssyncset.done $0x0  }
0x22: {  	s26 =	simm.s32 $0x1B8E;
	s25 =	sld [smem:$0x3FFE];
	[sflag:s24] =	ssyncadd.s32 $0xFFFFFFFF  }
0x23: {  	s27 =	simm.s32 $execute0_lowered;
	[smem:$0x3FD2] =	sst s26  }
0x24: {  	s5 =	sshll.u32 s27, $0x1;
	_ =	strace $0x80000046;
	[dreg:$0x1] =	wrdreg $0xFFFFFFFF  }
0x25: {  	s28 =	simm.s32 $_size_execute0_lowered;
	s3 =	sadd.s32 s3, s5;
	[dreg:$0x0] =	wrdreg $0x0  }
0x26: {  	s5 =	sshll.u32 s28, $0x1;
	[dreg:$0x2] =	wrdreg s3  }
0x27: {  	[dreg:$0x3] =	wrdreg s5  }
0x28: {  	[dreg:$0x4] =	wrdreg $0xC0  }
0x29: {  	_ =	task [dreg:s7], $0x5FFFF  }
0x2a: {  	[dreg:$0x1] =	wrdreg $0xFFFFFFFF  }
0x2b: {  	[dreg:$0x0] =	wrdreg $0x60  }
0x2c: {  	[dreg:$0x2] =	wrdreg s25  }
0x2d: {  	[dreg:$0x3] =	wrdreg s17  }
0x2e: {  	[dreg:$0x4] =	wrdreg $0x9  }
0x2f: {  	_ =	task.clear_ibuf [dreg:s7], $0x5FFFF;
	_ =	strace $0x90000046  }
0x30: {  	s29 =	simm.s32 $0x9;
	_ =	strace $0x80000048  }
0x31: {  	_ =	swait.ge [sflag:s29], $0x1  }
0x32: {  	[sflag:s29] =	ssyncadd.s32 $0xFFFFFFFF  }
0x33: {  	_ =	strace $0x90000048  }
0x34: {  	_ =	sfence  }
0x35: {  	s30 =	sld [smem:$0x0];
	_ =	sdelay $0x2  }
0x36: {  	s31 =	sshll.u32 s1, $0xD;
	s1 =	sshrl.u32 s1, $0x2  }
0x37: {  	s3 =	sand.u32 $0x4000, s31;
	s1 =	sadd.s32 s1, s30  }
0x38: {  	s0 =	sor.u32 s3, s0;
	s1 =	sshll.u32 s1, $0x11  }
0x39: {  	s0 =	sor.u32 s1, s0  }
0x3a: {  	s0 =	sadd.s32 $0x8F2B, s0  }
0x3b: {  	[sflag:s0] =	ssyncadd.remote.s32 $0x1  }
0x3c: {  	_ =	sfence.sel $0xFFFF  }
0x3d: {  	[dreg:$0x0] =	wrdreg $0xFFFFFFFF;
	(pc) =	sbr.abs _section_cstart, $3  }
0x3e: {  	[dreg:$0x1] =	wrdreg $0xFFFFFFFF  }
0x3f: {  	_ =	task.clear_ibuf [dreg:s7], $0x2FFFF;
	_ =	strace $0x9FFFFFFF  }
0x40: {  	(tm) =	ssettm $0x7FFFFFFF  }
0x41: {  	_ =	shalt  }
tec
execute0_lowered:
.L_overlay_start_1:
0x0: {  	(tag) =	ssettag $0x1  }
0x1: {  	s1 =	rddreg [dreg:$0x0];
	_ =	strace $0x80000047  }
0x2: {  	s5 =	srdreg.scid;
	s4 =	simm.s32 $0x1;
	s6 =	simm.s32 $0x2  }
.Ltmp0:
0x3: {  	s12 =	simm.s32 $0x0;
	s13 =	simm.s32 $0x0;
	(pc) =	sbr.rel .LBB1_1-.Ltmp0, $4  }
0x4: {  	s8 =	simm.s32 $0x0;
	s10 =	simm.s32 $0x0;
	s11 =	stileid.u32  }
0x5: {  	s7 =	simm.s32 $0x0;
	s21 =	simm.s32 $0x0;
	s5 =	sshll.u32 s5, $0x7  }
0x6: {  	s3 =	sadd.s32 $0x420A00, s1;
	[sflag:s4] =	ssyncpa.u1 $0x0;
	s5 =	sand.u32 $0x80, s5  }
0x7: {  	s1 =	stileid.u32;
	[sflag:s6] =	ssyncpa.u1 $0x0;
	s9 =	smov.u32 s5  }
.LBB1_7:
0x8: {  	p0 =	sgt.s32 s8, $0x2080;
	s0 =	smov.u32 s8;
	s2 =	sshll.u32 s8, $0x3  }
0x9: {  	s6 =	sand.u32 $0x7F, s8;
	s0 =	simm.s32 @!p0 $0x2080;
	s2 =	sand.u32 $0xFFFFFC00, s2  }
0xa: {  	s0 =	sadd.s32 s15, s0;
	s6 =	sor.u32 s6, s2;
	s2 =	smulhi.u32 $0x3E0F83E1, s2  }
0xb: {  	s25 =	smul.u32 $0x14A00, s10;
	s15 =	sadd.s32 $0xFFFFDF80, s0;
	s0 =	ssub.s32 $0x2100, s0  }
0xc: {  	s22 =	smulhi.u32 $0x3E0F83E1, s6;
	p0 =	sgt.s32 s15, $0x7F;
	s2 =	sshrl.u32 s2, $0xB  }
0xd: {  	s0 =	simm.s32 @p0 $0x0;
	s24 =	smulhi.u32 $0x3333334, s2  }
0xe: {  	s0 =	smul.u32 s0, s14  }
0xf: {  	s23 =	sshrl.u32 s22, $0xB;
	s15 =	smul.u32 $0x50, s24  }
0x10: {  	s14 =	smul.u32 $0x2100, s23  }
0x11: {  	s26 =	rddreg [dreg:$0x1];
	s29 =	sor.u32 $0x8000, s16;
	s2 =	ssub.s32 s2, s15  }
0x12: {  	s31 =	simm.s32 $0x10800;
	s6 =	ssub.s32 s6, s14;
	s2 =	smul.u32 $0x420, s2  }
0x13: {  	s0 =	smul.u32 $0x50, s0;
	s14 =	sadd.s32 s26, s25;
	s27 =	sand.u32 $0x7, s6  }
0x14: {  	s6 =	sshrl.u32 s6, $0x3;
	s28 =	sshll.u32 s27, $0x12;
	s2 =	sadd.s32 s2, s14  }
0x15: {  	s0 =	sand.u32 $0x3FFFFFF0, s0;
	s30 =	sor.u32 $0x400, s28;
	s2 =	sadd.s32 s6, s2  }
0x16: {  	[hbm4b:s2+s30] =	stream.strided.scatter [tilespmem:s29], [sflag:$0x2], s0, s31, s30, $0x20;
	[tilespmem:$0x10100] =	vst v63  }
.LBB1_8:
0x17: {  	p0 =	slt.u32 s7, $0x2  }
0x18: {  	s2 =	smov.u32 s13;
	s6 =	smov.u32 s12;
	p1 =	sgt.s32 @!p0 s13, $0xF  }
0x19: {  	s0 =	sshra.s32 @!p0 s13, $0x1F;
	p2 =	sgt.s32 @!p0 s12, $0x2080;
	p1 =	por !p1, p0  }
0x1a: {  	s0 =	sand.u32 @!p0 s0, s13;
	p2 =	por !p2, p0;
	s13 =	sshra.s32 @!p0 s12, $0x1F  }
0x1b: {  	s2 =	simm.s32 @p1 $0xF;
	s6 =	simm.s32 @p2 $0x2080;
	s12 =	sand.u32 @!p0 s13, s12  }
0x1c: {  	s0 =	ssub.s32 @!p0 s2, s0;
	s2 =	ssub.s32 @!p0 s6, s12  }
0x1d: {  	s6 =	sadd.s32 @!p0 $0xFFFFFFF1, s0;
	s0 =	ssub.s32 @!p0 $0x10, s0;
	s12 =	sadd.s32 @!p0 $0xFFFFDF80, s2  }
0x1e: {  	p1 =	sgt.s32 @!p0 s6, $0x0;
	s0 =	smul.u32 @!p0 $0x50, s0;
	p2 =	sgt.s32 @!p0 s12, $0x7F  }
0x1f: {  	s2 =	ssub.s32 @!p0 $0x2100, s2;
	p1 =	por !p1, p0;
	p2 =	por !p2, p0  }
0x20: {  	s0 =	simm.s32 @!p1 $0x0;
	s2 =	simm.s32 @!p2 $0x0  }
0x21: {  	s0 =	smul.u32 @!p0 s2, s0;
	s2 =	sadd.s32 $0x100, s9  }
0x22: {  	s14 =	smov.u32 s11;
	s12 =	sadd.s32 $0x10, s11;
	p1 =	sgt.s32 s2, $0x20CF  }
0x23: {  	s14 =	smov.u32 @p1 s12  }
0x24: {  	s7 =	sadd.s32 $0x1, s7;
	s2 =	smov.u32 @p1 s5;
	p1 =	sgt.s32 s14, $0xF  }
0x25: {  	s14 =	smov.u32 @p1 s1;
	p1 =	sne.s32 s7, $0x23  }
.Ltmp1:
0x26: {  	_ = 	snop;
	(pc) =	sbr.rel @!p1 .LBB1_9-.Ltmp1, $4  }
0x27: {  	s13 =	smov.u32 s10;
	s6 =	simm.s32 @!p0 $0x2;
	s0 =	sand.u32 @!p0 $0x3FFFFFF0, s0  }
0x28: {  	s10 =	smov.u32 s11;
	s12 =	smov.u32 s8;
	_ =	swait.ge @!p0 [sflag:s6], s0  }
0x29: {  	s8 =	smov.u32 s9;
	s0 =	ssub.s32 @!p0 $0x0, s0;
	[sflag:s6] =	ssyncset.done @!p0 $0x0  }
0x2a: {  	s9 =	smov.u32 s2;
	[sflag:s6] =	ssyncadd.s32 @!p0 s0;
	s11 =	smov.u32 s14  }
.LBB1_1:
0x2b: {  	p0 =	sgt.u32 s7, $0x20;
	s15 =	smov.u32 s11  }
0x2c: {  	s18 =	smov.u32 s9;
	p1 =	sgt.s32 @!p0 s11, $0xF;
	s14 =	sand.u32 @!p0 $0x1FFFFFF, s9  }
0x2d: {  	s17 =	sshra.s32 @!p0 s11, $0x1F;
	s19 =	sshra.s32 @!p0 s9, $0x1F;
	p1 =	por !p1, p0  }
0x2e: {  	s16 =	smulhi.u32 @!p0 $0x1F35269, s14;
	s15 =	simm.s32 @p1 $0xF;
	p1 =	sgt.s32 @!p0 s9, $0x2050  }
0x2f: {  	s17 =	sand.u32 @!p0 s17, s11;
	s19 =	sand.u32 @!p0 s19, s9;
	p1 =	por !p1, p0  }
0x30: {  	s15 =	ssub.s32 @!p0 s15, s17;
	s16 =	sshrl.u32 @!p0 s16, $0x6;
	s18 =	simm.s32 @p1 $0x2050  }
0x31: {  	s15 =	sadd.s32 @!p0 $0xFFFFFFF1, s15;
	s16 =	smul.u32 @!p0 $0x20D0, s16;
	s17 =	ssub.s32 @!p0 s18, s19  }
0x32: {  	p1 =	sgt.s32 @!p0 s15, $0x0;
	s15 =	sshll.u32 @!p0 s15, $0x7;
	s18 =	sadd.s32 @!p0 $0xFFFFDFB0, s17  }
0x33: {  	s19 =	smul.u32 @!p0 $0x20D00, s11;
	s17 =	ssub.s32 @!p0 $0x20D0, s17;
	p2 =	sgt.s32 @!p0 s18, $0x7F  }
0x34: {  	s15 =	ssub.s32 @!p0 $0x80, s15;
	p1 =	por !p1, p0;
	p2 =	por !p2, p0  }
0x35: {  	s18 =	sxor.u32 @!p0 $0xFFFFFFFF, s7;
	s15 =	simm.s32 @!p1 $0x0;
	s17 =	simm.s32 @!p2 $0x0  }
0x36: {  	s14 =	ssub.s32 @!p0 s14, s16;
	s16 =	sshll.u32 @!p0 s18, $0xE;
	s15 =	smul.u32 @!p0 s17, s15  }
0x37: {  	s14 =	sshll.u32 @!p0 s14, $0x4;
	s16 =	sand.u32 @!p0 $0x4000, s16;
	s17 =	sadd.s32 @!p0 s3, s19  }
0x38: {  	s14 =	sadd.s32 @!p0 s14, s17;
	s17 =	simm.s32 @!p0 $0x0;
	s15 =	sand.u32 @!p0 $0x3FFFFF80, s15  }
0x39: {  	[tilespmem:s16], [sflag:$0x1] =	stream.linear.gather @!p0 [hbm4b:s14+s17], s15, $0x38;
	[tilespmem:$0x10100] =	vst v63  }
0x3a: {  	p0 =	seq.s32 s7, $0x0  }
0x3b: {  	p1 =	seq.s32 @!p0 s7, $0x22  }
0x3c: {  	p0 =	por p0, p1  }
.Ltmp2:
0x3d: {  	_ = 	snop;
	(pc) =	sbr.rel @p0 .LBB1_8-.Ltmp2, $1  }
0x3e: {  	_ =	sdelay $0x3  }
0x3f: {  	p0 =	sgt.s32 s10, $0xF  }
0x40: {  	s14 =	smov.u32 s10;
	s15 =	sshra.s32 s10, $0x1F;
	s16 =	ssub.s32 $0x0, s8  }
0x41: {  	s17 =	sshra.s32 s8, $0x1F;
	s14 =	simm.s32 @!p0 $0xF;
	s15 =	sand.u32 s15, s10  }
0x42: {  	s18 =	smov.u32 s8;
	p0 =	sgt.s32 s8, $0x2050;
	s14 =	ssub.s32 s14, s15  }
0x43: {  	s15 =	sand.u32 s16, s17;
	s18 =	simm.s32 @!p0 $0x2050;
	s30 =	sadd.s32 $0xFFFFFFF1, s14  }
0x44: {  	s17 =	sadd.s32 s15, s18;
	s14 =	ssub.s32 $0x10, s14;
	p0 =	sgt.s32 s30, $0x0  }
0x45: {  	s31 =	sadd.s32 $0xFFFFDFB0, s17;
	s16 =	ssub.s32 $0x20D0, s17;
	s17 =	sadd.s32 $0x1, s10  }
0x46: {  	s18 =	sadd.s32 $0x80, s8;
	s14 =	simm.s32 @p0 $0x0;
	p0 =	slt.s32 s17, $0x10  }
0x47: {  	s17 =	simm.s32 @!p0 $0x10;
	p0 =	slt.s32 s18, $0x20D0  }
0x48: {  	p1 =	sgt.s32 s31, $0x7F;
	s17 =	ssub.s32 s17, s10;
	s18 =	simm.s32 @!p0 $0x20D0  }
0x49: {  	s16 =	simm.s32 @p1 $0x0;
	s18 =	ssub.s32 s18, s8;
	p0 =	slt.s32 s17, $0x1  }
0x4a: {  	s16 =	smul.u32 s16, s14;
	p1 =	slt.s32 @!p0 s18, $0x1  }
0x4b: {  	p1 =	por p0, p1  }
.Ltmp3:
0x4c: {  	s16 =	sshll.u32 s16, $0x7;
	(pc) =	sbr.rel @p1 .LBB1_7-.Ltmp3, $4  }
0x4d: {  	s16 =	sand.u32 $0x3FFFFF80, s16  }
0x4e: {  	_ =	swait.ge [sflag:s4], s16  }
0x4f: {  	s19 =	sand.u32 $0x1, s7;
	s16 =	ssub.s32 $0x0, s16;
	[sflag:s4] =	ssyncset.done $0x0  }
0x50: {  	[sflag:s4] =	ssyncadd.s32 s16;
	s16 =	smul.u32 $0x4080, s19  }
0x51: {  	_ = 	snop  }
0x52: {  	s19 =	sshll.u32 @!p0 s19, $0xE;
	s22 =	simm.s32 $0x0;
	s20 =	sor.u32 @!p0 $0x8000, s16  }
.LBB1_4:
0x53: {  	s23 =	sshll.u32 s22, $0x10  }
0x54: {  	s24 =	smul.u32 $0x10200, s22;
	s23 =	sshra.s32 s23, $0x2  }
0x55: {  	s31 =	simm.s32 $0x0;
	s27 =	simm.s32 $0x10;
	s25 =	sadd.s32 s23, s19  }
0x56: {  	p0 =	sne.s32 s18, $0x1;
	s28 =	simm.s32 $0x20;
	s27 =	sand.u32 $0x78, s27;
	v0 =	vmov s25  }
0x57: {  	s26 =	sand.u32 $0x3F80, s21;
	s28 =	sand.u32 $0x78, s28;
	s27 =	smul.u32 $0x204, s27  }
0x58: {  	s30 =	sshra.s32 s24, $0x2;
	s24 =	simm.s32 $0x1;
	s28 =	smul.u32 $0x204, s28  }
0x59: {  	s23 =	sadd.s32 s30, s20;
	s25 =	sand.u32 $0x78, s31;
	s30 =	simm.s32 $0x30  }
0x5a: {  	s31 =	sand.u32 $0x7F, s21;
	s29 =	sxor.u32 $0x40, s25;
	s25 =	smul.u32 $0x204, s25  }
0x5b: {  	s30 =	sand.u32 $0x78, s30;
	s27 =	sshrl.u32 s27, $0x2;
	s29 =	smul.u32 $0x204, s29;
	v3 =	vld.idx.msk [tilespmem:v0+s26+$0x40 ss:$0x1], $0xffff  }
0x5c: {  	s28 =	sshrl.u32 s28, $0x2;
	s30 =	smul.u32 $0x204, s30;
	s27 =	sadd.s32 s27, s23;
	v4 =	vld.idx.msk [tilespmem:v0+s26+$0x0 ss:$0x1], $0xffff  }
.Ltmp4:
0x5d: {  	s28 =	sadd.s32 s28, s23;
	s29 =	sshrl.u32 s29, $0x2;
	(pc) =	sbr.rel @!p0 .LBB1_6-.Ltmp4, $4  }
0x5e: {  	s25 =	sshrl.u32 s25, $0x2;
	s28 =	sadd.s32 s31, s28;
	s29 =	sadd.s32 s29, s23;
	v1 =	vld.idx.msk [tilespmem:v0+s26+$0x10 ss:$0x1], $0xffff  }
0x5f: {  	s25 =	sadd.s32 s25, s23;
	s30 =	sshrl.u32 s30, $0x2;
	s29 =	sadd.s32 s31, s29  }
0x60: {  	s25 =	sadd.s32 s31, s25;
	v2 =	vld.idx.msk [tilespmem:v0+s26+$0x20 ss:$0x1], $0xffff;
	[tilespmem:s29+$0x0 ss:$0x81] =	vst.msk $0xffff, v3;
	s29 =	sadd.s32 s31, s27;
	s27 =	sadd.s32 s30, s23  }
0x61: {  	v3 =	vld.idx.msk [tilespmem:v0+s26+$0x30 ss:$0x1], $0xffff;
	[tilespmem:s25+$0x0 ss:$0x81] =	vst.msk $0xffff, v4;
	s25 =	simm.s32 $0x1808;
	s26 =	simm.s32 $0x0;
	s27 =	sadd.s32 s31, s27  }
.LBB1_5:
0x62: {  	s30 =	sadd.s32 $0xFFFFE800, s25  }
0x63: {  	s31 =	sadd.s32 $0xFFFFF000, s25;
	[tilespmem:s29+$0x0 ss:$0x81] =	vst.msk $0xffff, v1;
	s29 =	smov.u32 s24;
	s24 =	sadd.s32 $0x1, s24  }
0x64: {  	s26 =	sadd.s32 $0x80, s26;
	s0 =	sadd.s32 $0xFFFFF800, s25;
	s2 =	sshrl.u32 s25, $0x7  }
0x65: {  	s30 =	sshrl.u32 s30, $0x7;
	p0 =	sne.s32 s18, s24;
	[tilespmem:s28+$0x0 ss:$0x81] =	vst.msk $0xffff, v2;
	s28 =	sand.u32 $0x3F80, s26  }
0x66: {  	s0 =	sshrl.u32 s0, $0x7;
	s2 =	sand.u32 $0x78, s2;
	s30 =	sand.u32 $0x78, s30;
	[tilespmem:s27+$0x0 ss:$0x81] =	vst.msk $0xffff, v3  }
0x67: {  	s27 =	sshrl.u32 s31, $0x7;
	s2 =	smul.u32 $0x204, s2;
	v4 =	vld.idx.msk [tilespmem:v0+s28+$0x40 ss:$0x1], $0xffff;
	s31 =	sxor.u32 $0x40, s30  }
0x68: {  	s27 =	sand.u32 $0x78, s27;
	v5 =	vld.idx.msk [tilespmem:v0+s28+$0x0 ss:$0x1], $0xffff;
	s31 =	smul.u32 $0x204, s31  }
0x69: {  	s0 =	sand.u32 $0x78, s0;
	s30 =	smul.u32 $0x204, s30;
	v1 =	vld.idx.msk [tilespmem:v0+s28+$0x10 ss:$0x1], $0xffff  }
0x6a: {  	s27 =	smul.u32 $0x204, s27;
	v2 =	vld.idx.msk [tilespmem:v0+s28+$0x20 ss:$0x1], $0xffff;
	s31 =	sshrl.u32 s31, $0x2  }
0x6b: {  	s6 =	sand.u32 $0x7F, s29;
	s0 =	smul.u32 $0x204, s0;
	v3 =	vld.idx.msk [tilespmem:v0+s28+$0x30 ss:$0x1], $0xffff;
	s28 =	sadd.s32 s31, s23  }
.Ltmp5:
0x6c: {  	s29 =	sshrl.u32 s30, $0x2;
	s28 =	sadd.s32 s6, s28;
	(pc) =	sbr.rel @p0 .LBB1_5-.Ltmp5, $4  }
0x6d: {  	s0 =	sshrl.u32 s0, $0x2;
	s29 =	sadd.s32 s29, s23;
	s27 =	sshrl.u32 s27, $0x2;
	[tilespmem:s28+$0x0 ss:$0x81] =	vst.msk $0xffff, v4  }
0x6e: {  	s2 =	sshrl.u32 s2, $0x2;
	s0 =	sadd.s32 s0, s23;
	s27 =	sadd.s32 s27, s23  }
0x6f: {  	s2 =	sadd.s32 s2, s23;
	s28 =	sadd.s32 s6, s29;
	s29 =	sadd.s32 s6, s27  }
0x70: {  	s25 =	sadd.s32 $0x8, s25;
	s27 =	sadd.s32 s6, s2;
	[tilespmem:s28+$0x0 ss:$0x81] =	vst.msk $0xffff, v5;
	s28 =	sadd.s32 s6, s0  }
.LBB1_6:
0x71: {  	s22 =	sadd.s32 $0x1, s22  }
0x72: {  	p0 =	sne.s32 s22, s17  }
.Ltmp6:
0x73: {  	_ = 	snop;
	(pc) =	sbr.rel @p0 .LBB1_4-.Ltmp6, $4  }
.Ltmp7:
0x74: {  	_ = 	snop;
	(pc) =	sbr.rel @!p0 .LBB1_7-.Ltmp7, $4  }
0x75: {  	[tilespmem:s29+$0x0 ss:$0x81] =	vst.msk $0xffff, v1  }
0x76: {  	[tilespmem:s28+$0x0 ss:$0x81] =	vst.msk $0xffff, v2  }
0x77: {  	[tilespmem:s27+$0x0 ss:$0x81] =	vst.msk $0xffff, v3  }
0x78: {  	_ = 	snop  }
.LBB1_9:
0x79: {  	_ =	sfence.sel $0x180000  }
0x7a: {  	s0 =	simm.s32 $0x1;
	[bflag:$0x0] =	sbarrier.arrive $0xFFFF  }
0x7b: {  	s31 =	simm.s32 $0x2;
	[sflag:s0] =	ssyncpa.u1 $0x1  }
0x7c: {  	[sflag:s31] =	ssyncpa.u1 $0x1  }
0x7d: {  	_ =	strace $0x90000047  }
0x7e: {  	[bflag:$0x2] =	sbarrier.arrive $0xFFFF  }
0x7f: {  	p0 =	sne.s32 s1, $0x0;
	s0 =	rddreg [dreg:$0x2]  }
0x80: {  	s0 =	sadd.s32 @!p0 $0x100000, s0  }
0x81: {  	[sflag:s0] =	ssyncadd.tile.s32 @!p0 $0x1;
	_ =	shalt  }
.Lfunc_end1:
_tile_overlayer_lowered:
.L_overlay_start_2:
0x82: {  	(tag) =	ssettag $0x2  }
0x83: {  	s0 =	rddreg [dreg:$0x0];
	s2 =	stileid.u32  }
0x84: {  	s1 =	rddreg [dreg:$0x1];
	p0 =	sne.s32 s2, $0x0  }
0x85: {  	s3 =	rddreg [dreg:$0x2];
	[bflag:$0x3] =	sbarrier.arrive $0xFFFF;
	s2 =	simm.s32 @!p0 $0x1C01  }
0x86: {  	[timem:s3], [sflag:s2] =	dma.local @!p0 [hbm:s0], s1  }
0x87: {  	s0 =	simm.s32 @!p0 $0x1  }
0x88: {  	_ =	swait.ge @!p0 [sflag:s0], s1  }
0x89: {  	s1 =	ssub.s32 @!p0 $0x0, s1;
	[sflag:s0] =	ssyncset.done @!p0 $0x0  }
0x8a: {  	[sflag:s0] =	ssyncadd.s32 @!p0 s1  }
0x8b: {  	[bflag:$0x3] =	sbarrier.arrive $0xFFFF  }
0x8c: {  	_ =	shalt  }

</sc_bundles>
